<compile_context>
chip_gen: v7x
topology: tpu7x:2x2x1
jax: 0.10.2.dev20260603
libtpu: 0.0.44.dev20260713+nightly
codegen_flags: <defaults>
</compile_context>

<pallas_src>
import functools

import jax
import jax.numpy as jnp
from jax import lax
from jax.experimental import pallas as pl
from jax.experimental.pallas import tpu as pltpu
from jax.experimental.pallas import tpu_sc as plsc

N = 10000
E = 320000
D = 128
BN_EPS = 1e-5

NUM_TILES = 16
EDGES_PER_TILE = E // NUM_TILES
CHUNK = 128
NFULL = EDGES_PER_TILE // CHUNK
REM = EDGES_PER_TILE - NFULL * CHUNK
ROWS_PER_TILE = 624
ROWS_TAIL = N - NUM_TILES * ROWS_PER_TILE


def _sc_aggregate(x, edges):
    mesh = plsc.VectorSubcoreMesh(core_axis_name="c", subcore_axis_name="s")

    @functools.partial(
        pl.kernel,
        out_type=jax.ShapeDtypeStruct((2, N, D), jnp.float32),
        mesh=mesh,
        scratch_types=[
            pltpu.VMEM_SHARED((N, D), jnp.float32),
            pltpu.VMEM((CHUNK,), jnp.int32),
            pltpu.VMEM((CHUNK,), jnp.int32),
            pltpu.VMEM((CHUNK,), jnp.int32),
            pltpu.VMEM((CHUNK,), jnp.int32),
            pltpu.VMEM((CHUNK, D), jnp.float32),
            pltpu.VMEM((CHUNK, D), jnp.float32),
            pltpu.VMEM((REM,), jnp.int32),
            pltpu.VMEM((REM,), jnp.int32),
            pltpu.VMEM((REM, D), jnp.float32),
            pltpu.SemaphoreType.DMA,
            pltpu.SemaphoreType.DMA,
            pltpu.SemaphoreType.DMA,
            pltpu.SemaphoreType.DMA,
            pltpu.SemaphoreType.DMA,
            pltpu.SemaphoreType.DMA,
            pltpu.SemaphoreType.DMA,
        ],
    )
    def agg_kernel(x_hbm, edges_hbm, out_hbm, acc, src_a, dst_a, src_b, dst_b,
                   rows_a, rows_b, src_r, dst_r, rows_r, sem, sis_a, sid_a,
                   sis_b, sid_b, ss_a, ss_b):
        c = lax.axis_index("c")
        s = lax.axis_index("s")
        r0 = pl.multiple_of(s * ROWS_PER_TILE, 8)
        base = pl.multiple_of(c * (2 * E) + s * EDGES_PER_TILE, 8)

        bufs = ((src_a, dst_a, sis_a, sid_a, rows_a, ss_a),
                (src_b, dst_b, sis_b, sid_b, rows_b, ss_b))

        def idx_start(j, p):
            sv, dv, ss, sd = bufs[p][:4]
            off = pl.multiple_of(base + j * CHUNK, 8)
            pltpu.async_copy(edges_hbm.at[pl.ds(off, CHUNK)], sv, ss)
            pltpu.async_copy(edges_hbm.at[pl.ds(off + E, CHUNK)], dv, sd)

        def idx_wait(j, p):
            sv, dv, ss, sd = bufs[p][:4]
            off = pl.multiple_of(base + j * CHUNK, 8)
            pltpu.make_async_copy(
                edges_hbm.at[pl.ds(off, CHUNK)], sv, ss).wait()
            pltpu.make_async_copy(
                edges_hbm.at[pl.ds(off + E, CHUNK)], dv, sd).wait()

        def scatter_start(p):
            _, dv, _, _, rv, sp = bufs[p]
            pltpu.async_copy(rv, acc.at[dv], sp, add=True)

        def scatter_wait(p):
            _, dv, _, _, rv, sp = bufs[p]
            pltpu.make_async_copy(rv, acc.at[dv], sp).wait()

        idx_start(0, 0)
        pltpu.sync_copy(x_hbm.at[pl.ds(r0, ROWS_PER_TILE)],
                        acc.at[pl.ds(r0, ROWS_PER_TILE)])

        @pl.when(s == NUM_TILES - 1)
        def _init_tail():
            t0 = NUM_TILES * ROWS_PER_TILE
            pltpu.sync_copy(x_hbm.at[pl.ds(t0, ROWS_TAIL)],
                            acc.at[pl.ds(t0, ROWS_TAIL)])

        plsc.subcore_barrier()

        def step(j, p, prefetch, drain=True):
            sv, _, _, _, rv, _ = bufs[p]
            idx_wait(j, p)
            pltpu.async_copy(x_hbm.at[sv], rv, sem).wait()
            if drain:
                scatter_wait(1 - p)
            scatter_start(p)
            if prefetch:
                idx_start(j + 1, 1 - p)

        step(0, 0, prefetch=True, drain=False)

        def body(jo, carry):
            step(jo * 2 + 1, 1, prefetch=True)
            step(jo * 2 + 2, 0, prefetch=True)
            return carry

        lax.fori_loop(0, NFULL // 2 - 1, body, 0)
        step(NFULL - 1, 1, prefetch=False)
        scatter_wait(1)

        off = base + NFULL * CHUNK
        pltpu.sync_copy(edges_hbm.at[pl.ds(off, REM)], src_r)
        pltpu.sync_copy(edges_hbm.at[pl.ds(off + E, REM)], dst_r)
        pltpu.async_copy(x_hbm.at[src_r], rows_r, sem).wait()
        pltpu.sync_copy(rows_r, acc.at[dst_r], add=True)

        plsc.subcore_barrier()
        pltpu.sync_copy(acc.at[pl.ds(r0, ROWS_PER_TILE)],
                        out_hbm.at[c, pl.ds(r0, ROWS_PER_TILE)])

        @pl.when(s == NUM_TILES - 1)
        def _out_tail():
            t0 = NUM_TILES * ROWS_PER_TILE
            pltpu.sync_copy(acc.at[pl.ds(t0, ROWS_TAIL)],
                            out_hbm.at[c, pl.ds(t0, ROWS_TAIL)])

    return agg_kernel(x, edges)


def _tc_mlp(pre, w1t0, w2t0, g10, b10, g20, b20, w1t1, w2t1, g11, b11, g21, b21):
    def body(pre_ref, w1t0_r, w2t0_r, g10_r, b10_r, g20_r, b20_r,
             w1t1_r, w2t1_r, g11_r, b11_r, g21_r, b21_r, out_ref):
        def bn_relu(h, g, b):
            mean = jnp.mean(h, axis=0, keepdims=True)
            var = jnp.mean((h - mean) * (h - mean), axis=0, keepdims=True)
            return jnp.maximum((h - mean) * lax.rsqrt(var + BN_EPS) * g + b, 0.0)

        def rel(p, w1t, w2t, g1, b1, g2, b2):
            h = jnp.dot(p, w1t, preferred_element_type=jnp.float32)
            h = bn_relu(h, g1, b1)
            h = jnp.dot(h, w2t, preferred_element_type=jnp.float32)
            return bn_relu(h, g2, b2)

        out_ref[...] = (
            rel(pre_ref[0], w1t0_r[...], w2t0_r[...], g10_r[...], b10_r[...],
                g20_r[...], b20_r[...])
            + rel(pre_ref[1], w1t1_r[...], w2t1_r[...], g11_r[...], b11_r[...],
                  g21_r[...], b21_r[...]))

    return pl.pallas_call(
        body,
        out_shape=jax.ShapeDtypeStruct((N, D), jnp.float32),
    )(pre, w1t0, w2t0, g10, b10, g20, b20, w1t1, w2t1, g11, b11, g21, b21)


@jax.jit
def kernel(x, edge_index_rel0, edge_index_rel1,
           W1_0, W2_0, g1_0, b1_0, g2_0, b2_0,
           W1_1, W2_1, g1_1, b1_1, g2_1, b2_1):
    edges = jnp.concatenate(
        [edge_index_rel0.reshape(-1), edge_index_rel1.reshape(-1)])
    pre = _sc_aggregate(x, edges)
    row = lambda v: v.reshape(1, D)
    return _tc_mlp(pre,
                   W1_0.T, W2_0.T, row(g1_0), row(b1_0), row(g2_0), row(b2_0),
                   W1_1.T, W2_1.T, row(g1_1), row(b1_1), row(g2_1), row(b2_1))

# --- scband reference (transcript-rebuilt; emitter-appended) ---
"""Pipeline reference for scband-ginlayer-16423954940358 (READ-ONLY COPY).

The authoritative reference and input builder live on the scoring server;
editing this copy changes nothing except your own understanding.
"""

import jax, jax.numpy as jnp
import numpy as np

N = 10000
E = 320000
D = 128
BN_EPS = 1e-5


def batch_norm(x, gamma, beta):
    mean = jnp.mean(x, axis=0)
    var = jnp.var(x, axis=0)
    return (x - mean) / jnp.sqrt(var + BN_EPS) * gamma + beta


def setup_inputs(seed: int = 0) -> dict:
    key = jax.random.key(seed)
    ks = jax.random.split(key, 16)
    x = jax.random.normal(ks[0], (N, D), dtype=jnp.float32)
    edge_index_rel0 = jax.random.randint(ks[1], (2, E), 0, N, dtype=jnp.int32)
    edge_index_rel1 = jax.random.randint(ks[2], (2, E), 0, N, dtype=jnp.int32)
    s = 0.05
    params = {}
    for r, base in [(0, 3), (1, 9)]:
        params[f"W1_{r}"] = jax.random.normal(ks[base + 0], (D, D), dtype=jnp.float32) * s
        params[f"W2_{r}"] = jax.random.normal(ks[base + 1], (D, D), dtype=jnp.float32) * s
        params[f"g1_{r}"] = jnp.ones((D,), dtype=jnp.float32)
        params[f"b1_{r}"] = jnp.zeros((D,), dtype=jnp.float32)
        params[f"g2_{r}"] = jnp.ones((D,), dtype=jnp.float32)
        params[f"b2_{r}"] = jnp.zeros((D,), dtype=jnp.float32)
    inp = {"x": x, "edge_index_rel0": edge_index_rel0, "edge_index_rel1": edge_index_rel1}
    inp.update(params)
    return inp


def _gin_rel(x, edge_index, W1, W2, g1, b1, g2, b2):
    # DGL GINConv with aggregator 'sum', learn_eps=False (eps=0):
    # rst = (1 + eps) * h_dst + sum_{j in N(i)} h_src[j], then apply_func (MLP)
    src = edge_index[0]
    dst = edge_index[1]
    msgs = jnp.take(x, src, axis=0)
    agg = jax.ops.segment_sum(msgs, dst, num_segments=N)
    pre = x + agg
    # MLP: relu(bn(linear1(h))) -> linear2
    h = jnp.dot(pre, W1.T)
    h = jax.nn.relu(batch_norm(h, g1, b1))
    h = jnp.dot(h, W2.T)
    # GINBase: bn -> relu
    return jax.nn.relu(batch_norm(h, g2, b2))


def reference(x, edge_index_rel0, edge_index_rel1,
              W1_0, W2_0, g1_0, b1_0, g2_0, b2_0,
              W1_1, W2_1, g1_1, b1_1, g2_1, b2_1):
    # HeteroGraphConv: per-relation GINBase, summed over relations targeting same dst ntype
    out0 = _gin_rel(x, edge_index_rel0, W1_0, W2_0, g1_0, b1_0, g2_0, b2_0)
    out1 = _gin_rel(x, edge_index_rel1, W1_1, W2_1, g1_1, b1_1, g2_1, b2_1)
    out = out0 + out1
    return jnp.squeeze(out)

if __name__ == "__main__":
    import jax
    _d = setup_inputs()
    print(jax.jit(kernel)(*tuple(_d.values())))

</pallas_src>

<mosaic_0001>
#map = affine_map<(d0, d1) -> (0, 0)>
#map1 = affine_map<(d0, d1) -> (0)>
#map2 = affine_map<(d0, d1) -> (0, 0, 0)>
module attributes {stable_mosaic.version = 14 : i64} {
  func.func @agg_kernel(%arg0: i32, %arg1: i32, %arg2: memref<10000x128xf32, #tpu.memory_space<hbm>>, %arg3: memref<1280000xi32, #tpu.memory_space<hbm>>, %arg4: memref<2x10000x128xf32, #tpu.memory_space<hbm>>, %arg5: memref<10000x128xf32, #tpu.memory_space<vmem_shared>>, %arg6: memref<128xi32, #tpu.memory_space<vmem>>, %arg7: memref<128xi32, #tpu.memory_space<vmem>>, %arg8: memref<128xi32, #tpu.memory_space<vmem>>, %arg9: memref<128xi32, #tpu.memory_space<vmem>>, %arg10: memref<128x128xf32, #tpu.memory_space<vmem>>, %arg11: memref<128x128xf32, #tpu.memory_space<vmem>>, %arg12: memref<32xi32, #tpu.memory_space<vmem>>, %arg13: memref<32xi32, #tpu.memory_space<vmem>>, %arg14: memref<32x128xf32, #tpu.memory_space<vmem>>, %arg15: memref<!tpu.dma_semaphore, #tpu.memory_space<semaphore_mem>>, %arg16: memref<!tpu.dma_semaphore, #tpu.memory_space<semaphore_mem>>, %arg17: memref<!tpu.dma_semaphore, #tpu.memory_space<semaphore_mem>>, %arg18: memref<!tpu.dma_semaphore, #tpu.memory_space<semaphore_mem>>, %arg19: memref<!tpu.dma_semaphore, #tpu.memory_space<semaphore_mem>>, %arg20: memref<!tpu.dma_semaphore, #tpu.memory_space<semaphore_mem>>, %arg21: memref<!tpu.dma_semaphore, #tpu.memory_space<semaphore_mem>>) attributes {dimension_semantics = [#tpu.dimension_semantics<core_parallel>, #tpu.dimension_semantics<subcore_parallel>], iteration_bounds = array<i64: 2, 16>, scalar_prefetch = 0 : i64, scratch_operands = 17 : i64, tpu.core_type = #tpu.core_type<sc_vector_subcore>, window_params = [{transform_indices = #map}, {transform_indices = #map1}, {transform_indices = #map2}]} {
    %mul3A = arith.constant 624 : i32
    %mul3A_0 = arith.muli %arg1, %mul3A : i32
    %multiple_of3A = tpu.assume_multiple %mul3A_0, 8 : i32
    %mul3A_1 = arith.constant 640000 : i32
    %mul3A_2 = arith.muli %arg0, %mul3A_1 : i32
    %mul3A_3 = arith.constant 20000 : i32
    %mul3A_4 = arith.muli %arg1, %mul3A_3 : i32
    %add3A = arith.addi %mul3A_2, %mul3A_4 : i32
    %multiple_of3A_5 = tpu.assume_multiple %add3A, 8 : i32
    %add3A_6 = arith.constant 0 : i32
    %add3A_7 = arith.addi %multiple_of3A_5, %add3A_6 : i32
    %multiple_of3A_8 = tpu.assume_multiple %add3A_7, 8 : i32
    %dma_start3A = tpu.memref_slice %arg3[%multiple_of3A_8] : memref<1280000xi32, #tpu.memory_space<hbm>> -> memref<128xi32, #tpu.memory_space<hbm>>
    %dma_start3A_9 = tpu.memref_slice %arg3[%multiple_of3A_8] : memref<1280000xi32, #tpu.memory_space<hbm>> -> memref<128xi32, #tpu.memory_space<hbm>>
    tpu.enqueue_dma source(%dma_start3A_9 : memref<128xi32, #tpu.memory_space<hbm>>) target(%arg6 : memref<128xi32, #tpu.memory_space<vmem>>) target_semaphore(%arg16 : memref<!tpu.dma_semaphore, #tpu.memory_space<semaphore_mem>>)
    %add3A_10 = arith.constant 320000 : i32
    %add3A_11 = arith.addi %multiple_of3A_8, %add3A_10 : i32
    %dma_start3A_12 = tpu.memref_slice %arg3[%add3A_11] : memref<1280000xi32, #tpu.memory_space<hbm>> -> memref<128xi32, #tpu.memory_space<hbm>>
    %dma_start3A_13 = tpu.memref_slice %arg3[%add3A_11] : memref<1280000xi32, #tpu.memory_space<hbm>> -> memref<128xi32, #tpu.memory_space<hbm>>
    tpu.enqueue_dma source(%dma_start3A_13 : memref<128xi32, #tpu.memory_space<hbm>>) target(%arg7 : memref<128xi32, #tpu.memory_space<vmem>>) target_semaphore(%arg17 : memref<!tpu.dma_semaphore, #tpu.memory_space<semaphore_mem>>)
    "tpu.region"() ({
      %run_scoped3A = tpu.sem_alloc : memref<!tpu.dma_semaphore, #tpu.memory_space<semaphore_mem>>
      %dma_start3A_87 = arith.constant 0 : i32
      %dma_start3A_88 = tpu.memref_slice %arg5[%multiple_of3A, %dma_start3A_87] : memref<10000x128xf32, #tpu.memory_space<vmem_shared>> -> memref<624x128xf32, #tpu.memory_space<vmem_shared>>
      %dma_start3A_89 = arith.constant 0 : i32
      %dma_start3A_90 = tpu.memref_slice %arg2[%multiple_of3A, %dma_start3A_89] : memref<10000x128xf32, #tpu.memory_space<hbm>> -> memref<624x128xf32, #tpu.memory_space<hbm>>
      tpu.enqueue_dma source(%dma_start3A_90 : memref<624x128xf32, #tpu.memory_space<hbm>>) target(%dma_start3A_88 : memref<624x128xf32, #tpu.memory_space<vmem_shared>>) target_semaphore(%run_scoped3A : memref<!tpu.dma_semaphore, #tpu.memory_space<semaphore_mem>>)
      %dma_wait3A_91 = arith.constant 0 : i32
      %dma_wait3A_92 = tpu.memref_slice %arg5[%multiple_of3A, %dma_wait3A_91] : memref<10000x128xf32, #tpu.memory_space<vmem_shared>> -> memref<624x128xf32, #tpu.memory_space<vmem_shared>>
      %dma_wait3A_93 = arith.constant 0 : i32
      %dma_wait3A_94 = tpu.memref_slice %arg2[%multiple_of3A, %dma_wait3A_93] : memref<10000x128xf32, #tpu.memory_space<hbm>> -> memref<624x128xf32, #tpu.memory_space<hbm>>
      tpu.wait_dma2 semaphore(%run_scoped3A : memref<!tpu.dma_semaphore, #tpu.memory_space<semaphore_mem>>) src(%dma_wait3A_94 : memref<624x128xf32, #tpu.memory_space<hbm>>) dst(%dma_wait3A_92 : memref<624x128xf32, #tpu.memory_space<vmem_shared>>)
      tpu.yield
    }) : () -> ()
    %eq3A = arith.constant 15 : i32
    %eq3A_14 = arith.cmpi eq, %arg1, %eq3A : i32
    %convert_element_type3A = arith.extui %eq3A_14 : i1 to i32
    %cond3A = arith.constant 0 : i32
    %cond3A_15 = arith.cmpi ne, %convert_element_type3A, %cond3A : i32
    scf.if %cond3A_15 {
      "tpu.region"() ({
        %run_scoped3A = tpu.sem_alloc : memref<!tpu.dma_semaphore, #tpu.memory_space<semaphore_mem>>
        %dma_start3A_87 = arith.constant 9984 : i32
        %dma_start3A_88 = arith.constant 0 : i32
        %dma_start3A_89 = tpu.memref_slice %arg5[%dma_start3A_87, %dma_start3A_88] : memref<10000x128xf32, #tpu.memory_space<vmem_shared>> -> memref<16x128xf32, #tpu.memory_space<vmem_shared>>
        %dma_start3A_90 = arith.constant 9984 : i32
        %dma_start3A_91 = arith.constant 0 : i32
        %dma_start3A_92 = tpu.memref_slice %arg2[%dma_start3A_90, %dma_start3A_91] : memref<10000x128xf32, #tpu.memory_space<hbm>> -> memref<16x128xf32, #tpu.memory_space<hbm>>
        tpu.enqueue_dma source(%dma_start3A_92 : memref<16x128xf32, #tpu.memory_space<hbm>>) target(%dma_start3A_89 : memref<16x128xf32, #tpu.memory_space<vmem_shared>>) target_semaphore(%run_scoped3A : memref<!tpu.dma_semaphore, #tpu.memory_space<semaphore_mem>>)
        %dma_wait3A_93 = arith.constant 9984 : i32
        %dma_wait3A_94 = arith.constant 0 : i32
        %dma_wait3A_95 = tpu.memref_slice %arg5[%dma_wait3A_93, %dma_wait3A_94] : memref<10000x128xf32, #tpu.memory_space<vmem_shared>> -> memref<16x128xf32, #tpu.memory_space<vmem_shared>>
        %dma_wait3A_96 = arith.constant 9984 : i32
        %dma_wait3A_97 = arith.constant 0 : i32
        %dma_wait3A_98 = tpu.memref_slice %arg2[%dma_wait3A_96, %dma_wait3A_97] : memref<10000x128xf32, #tpu.memory_space<hbm>> -> memref<16x128xf32, #tpu.memory_space<hbm>>
        tpu.wait_dma2 semaphore(%run_scoped3A : memref<!tpu.dma_semaphore, #tpu.memory_space<semaphore_mem>>) src(%dma_wait3A_98 : memref<16x128xf32, #tpu.memory_space<hbm>>) dst(%dma_wait3A_95 : memref<16x128xf32, #tpu.memory_space<vmem_shared>>)
        tpu.yield
      }) : () -> ()
    } else {
    }
    %barrier3A = arith.constant 0 : index
    tpu.barrier barrier_id(%barrier3A)
    %add3A_16 = arith.constant 0 : i32
    %add3A_17 = arith.addi %multiple_of3A_5, %add3A_16 : i32
    %multiple_of3A_18 = tpu.assume_multiple %add3A_17, 8 : i32
    %dma_wait3A = tpu.memref_slice %arg3[%multiple_of3A_18] : memref<1280000xi32, #tpu.memory_space<hbm>> -> memref<128xi32, #tpu.memory_space<hbm>>
    %dma_wait3A_19 = tpu.memref_slice %arg3[%multiple_of3A_18] : memref<1280000xi32, #tpu.memory_space<hbm>> -> memref<128xi32, #tpu.memory_space<hbm>>
    tpu.wait_dma2 semaphore(%arg16 : memref<!tpu.dma_semaphore, #tpu.memory_space<semaphore_mem>>) src(%dma_wait3A_19 : memref<128xi32, #tpu.memory_space<hbm>>) dst(%arg6 : memref<128xi32, #tpu.memory_space<vmem>>)
    %add3A_20 = arith.constant 320000 : i32
    %add3A_21 = arith.addi %multiple_of3A_18, %add3A_20 : i32
    %dma_wait3A_22 = tpu.memref_slice %arg3[%add3A_21] : memref<1280000xi32, #tpu.memory_space<hbm>> -> memref<128xi32, #tpu.memory_space<hbm>>
    %dma_wait3A_23 = tpu.memref_slice %arg3[%add3A_21] : memref<1280000xi32, #tpu.memory_space<hbm>> -> memref<128xi32, #tpu.memory_space<hbm>>
    tpu.wait_dma2 semaphore(%arg17 : memref<!tpu.dma_semaphore, #tpu.memory_space<semaphore_mem>>) src(%dma_wait3A_23 : memref<128xi32, #tpu.memory_space<hbm>>) dst(%arg7 : memref<128xi32, #tpu.memory_space<vmem>>)
    %dma_start3A_24 = arith.constant 0 : i32
    %dma_start3A_25 = arith.constant 0 : i32
    %dma_start3A_26 = tpu.memref_slice %arg2[%dma_start3A_24, %dma_start3A_25] : memref<10000x128xf32, #tpu.memory_space<hbm>> -> memref<10000x128xf32, #tpu.memory_space<hbm>>
    tpu.enqueue_indirect_dma source(%dma_start3A_26 : memref<10000x128xf32, #tpu.memory_space<hbm>>) target(%arg10 : memref<128x128xf32, #tpu.memory_space<vmem>>) offsets(%arg6 : memref<128xi32, #tpu.memory_space<vmem>>) semaphore(%arg15 : memref<!tpu.dma_semaphore, #tpu.memory_space<semaphore_mem>>)
    %dma_wait3A_27 = arith.constant 0 : i32
    %dma_wait3A_28 = arith.constant 0 : i32
    %dma_wait3A_29 = tpu.memref_slice %arg2[%dma_wait3A_27, %dma_wait3A_28] : memref<10000x128xf32, #tpu.memory_space<hbm>> -> memref<10000x128xf32, #tpu.memory_space<hbm>>
    tpu.wait_indirect_dma semaphore(%arg15 : memref<!tpu.dma_semaphore, #tpu.memory_space<semaphore_mem>>) src(%dma_wait3A_29 : memref<10000x128xf32, #tpu.memory_space<hbm>>) dst(%arg10 : memref<128x128xf32, #tpu.memory_space<vmem>>)
    %dma_start3A_30 = arith.constant 0 : i32
    %dma_start3A_31 = arith.constant 0 : i32
    %dma_start3A_32 = tpu.memref_slice %arg5[%dma_start3A_30, %dma_start3A_31] : memref<10000x128xf32, #tpu.memory_space<vmem_shared>> -> memref<10000x128xf32, #tpu.memory_space<vmem_shared>>
    tpu.enqueue_indirect_dma source(%arg10 : memref<128x128xf32, #tpu.memory_space<vmem>>) target(%dma_start3A_32 : memref<10000x128xf32, #tpu.memory_space<vmem_shared>>) offsets(%arg7 : memref<128xi32, #tpu.memory_space<vmem>>) semaphore(%arg20 : memref<!tpu.dma_semaphore, #tpu.memory_space<semaphore_mem>>) {add = true}
    %add3A_33 = arith.constant 128 : i32
    %add3A_34 = arith.addi %multiple_of3A_5, %add3A_33 : i32
    %multiple_of3A_35 = tpu.assume_multiple %add3A_34, 8 : i32
    %dma_start3A_36 = tpu.memref_slice %arg3[%multiple_of3A_35] : memref<1280000xi32, #tpu.memory_space<hbm>> -> memref<128xi32, #tpu.memory_space<hbm>>
    %dma_start3A_37 = tpu.memref_slice %arg3[%multiple_of3A_35] : memref<1280000xi32, #tpu.memory_space<hbm>> -> memref<128xi32, #tpu.memory_space<hbm>>
    tpu.enqueue_dma source(%dma_start3A_37 : memref<128xi32, #tpu.memory_space<hbm>>) target(%arg8 : memref<128xi32, #tpu.memory_space<vmem>>) target_semaphore(%arg18 : memref<!tpu.dma_semaphore, #tpu.memory_space<semaphore_mem>>)
    %add3A_38 = arith.constant 320000 : i32
    %add3A_39 = arith.addi %multiple_of3A_35, %add3A_38 : i32
    %dma_start3A_40 = tpu.memref_slice %arg3[%add3A_39] : memref<1280000xi32, #tpu.memory_space<hbm>> -> memref<128xi32, #tpu.memory_space<hbm>>
    %dma_start3A_41 = tpu.memref_slice %arg3[%add3A_39] : memref<1280000xi32, #tpu.memory_space<hbm>> -> memref<128xi32, #tpu.memory_space<hbm>>
    tpu.enqueue_dma source(%dma_start3A_41 : memref<128xi32, #tpu.memory_space<hbm>>) target(%arg9 : memref<128xi32, #tpu.memory_space<vmem>>) target_semaphore(%arg19 : memref<!tpu.dma_semaphore, #tpu.memory_space<semaphore_mem>>)
    %scan3A = arith.constant 0 : i32
    %scan3A_42 = arith.constant 0 : i32
    %scan3A_43 = arith.constant 77 : i32
    %scan3A_44 = arith.addi %scan3A_42, %scan3A_43 : i32
    %scan3A_45 = arith.constant 1 : i32
    scf.for %scan3A_87 = %scan3A_42 to %scan3A_44 step %scan3A_45  : i32 {
      %mul3A_88 = arith.constant 2 : i32
      %mul3A_89 = arith.muli %scan3A_87, %mul3A_88 : i32
      %add3A_90 = arith.constant 1 : i32
      %add3A_91 = arith.addi %mul3A_89, %add3A_90 : i32
      %mul3A_92 = arith.constant 128 : i32
      %mul3A_93 = arith.muli %add3A_91, %mul3A_92 : i32
      %add3A_94 = arith.addi %multiple_of3A_5, %mul3A_93 : i32
      %multiple_of3A_95 = tpu.assume_multiple %add3A_94, 8 : i32
      %dma_wait3A_96 = tpu.memref_slice %arg3[%multiple_of3A_95] : memref<1280000xi32, #tpu.memory_space<hbm>> -> memref<128xi32, #tpu.memory_space<hbm>>
      %dma_wait3A_97 = tpu.memref_slice %arg3[%multiple_of3A_95] : memref<1280000xi32, #tpu.memory_space<hbm>> -> memref<128xi32, #tpu.memory_space<hbm>>
      tpu.wait_dma2 semaphore(%arg18 : memref<!tpu.dma_semaphore, #tpu.memory_space<semaphore_mem>>) src(%dma_wait3A_97 : memref<128xi32, #tpu.memory_space<hbm>>) dst(%arg8 : memref<128xi32, #tpu.memory_space<vmem>>)
      %add3A_98 = arith.constant 320000 : i32
      %add3A_99 = arith.addi %multiple_of3A_95, %add3A_98 : i32
      %dma_wait3A_100 = tpu.memref_slice %arg3[%add3A_99] : memref<1280000xi32, #tpu.memory_space<hbm>> -> memref<128xi32, #tpu.memory_space<hbm>>
      %dma_wait3A_101 = tpu.memref_slice %arg3[%add3A_99] : memref<1280000xi32, #tpu.memory_space<hbm>> -> memref<128xi32, #tpu.memory_space<hbm>>
      tpu.wait_dma2 semaphore(%arg19 : memref<!tpu.dma_semaphore, #tpu.memory_space<semaphore_mem>>) src(%dma_wait3A_101 : memref<128xi32, #tpu.memory_space<hbm>>) dst(%arg9 : memref<128xi32, #tpu.memory_space<vmem>>)
      %dma_start3A_102 = arith.constant 0 : i32
      %dma_start3A_103 = arith.constant 0 : i32
      %dma_start3A_104 = tpu.memref_slice %arg2[%dma_start3A_102, %dma_start3A_103] : memref<10000x128xf32, #tpu.memory_space<hbm>> -> memref<10000x128xf32, #tpu.memory_space<hbm>>
      tpu.enqueue_indirect_dma source(%dma_start3A_104 : memref<10000x128xf32, #tpu.memory_space<hbm>>) target(%arg11 : memref<128x128xf32, #tpu.memory_space<vmem>>) offsets(%arg8 : memref<128xi32, #tpu.memory_space<vmem>>) semaphore(%arg15 : memref<!tpu.dma_semaphore, #tpu.memory_space<semaphore_mem>>)
      %dma_wait3A_105 = arith.constant 0 : i32
      %dma_wait3A_106 = arith.constant 0 : i32
      %dma_wait3A_107 = tpu.memref_slice %arg2[%dma_wait3A_105, %dma_wait3A_106] : memref<10000x128xf32, #tpu.memory_space<hbm>> -> memref<10000x128xf32, #tpu.memory_space<hbm>>
      tpu.wait_indirect_dma semaphore(%arg15 : memref<!tpu.dma_semaphore, #tpu.memory_space<semaphore_mem>>) src(%dma_wait3A_107 : memref<10000x128xf32, #tpu.memory_space<hbm>>) dst(%arg11 : memref<128x128xf32, #tpu.memory_space<vmem>>)
      %dma_wait3A_108 = arith.constant 0 : i32
      %dma_wait3A_109 = arith.constant 0 : i32
      %dma_wait3A_110 = tpu.memref_slice %arg5[%dma_wait3A_108, %dma_wait3A_109] : memref<10000x128xf32, #tpu.memory_space<vmem_shared>> -> memref<10000x128xf32, #tpu.memory_space<vmem_shared>>
      tpu.wait_indirect_dma semaphore(%arg20 : memref<!tpu.dma_semaphore, #tpu.memory_space<semaphore_mem>>) src(%arg10 : memref<128x128xf32, #tpu.memory_space<vmem>>) dst(%dma_wait3A_110 : memref<10000x128xf32, #tpu.memory_space<vmem_shared>>)
      %dma_start3A_111 = arith.constant 0 : i32
      %dma_start3A_112 = arith.constant 0 : i32
      %dma_start3A_113 = tpu.memref_slice %arg5[%dma_start3A_111, %dma_start3A_112] : memref<10000x128xf32, #tpu.memory_space<vmem_shared>> -> memref<10000x128xf32, #tpu.memory_space<vmem_shared>>
      tpu.enqueue_indirect_dma source(%arg11 : memref<128x128xf32, #tpu.memory_space<vmem>>) target(%dma_start3A_113 : memref<10000x128xf32, #tpu.memory_space<vmem_shared>>) offsets(%arg9 : memref<128xi32, #tpu.memory_space<vmem>>) semaphore(%arg21 : memref<!tpu.dma_semaphore, #tpu.memory_space<semaphore_mem>>) {add = true}
      %add3A_114 = arith.constant 1 : i32
      %add3A_115 = arith.addi %add3A_91, %add3A_114 : i32
      %mul3A_116 = arith.constant 128 : i32
      %mul3A_117 = arith.muli %add3A_115, %mul3A_116 : i32
      %add3A_118 = arith.addi %multiple_of3A_5, %mul3A_117 : i32
      %multiple_of3A_119 = tpu.assume_multiple %add3A_118, 8 : i32
      %dma_start3A_120 = tpu.memref_slice %arg3[%multiple_of3A_119] : memref<1280000xi32, #tpu.memory_space<hbm>> -> memref<128xi32, #tpu.memory_space<hbm>>
      %dma_start3A_121 = tpu.memref_slice %arg3[%multiple_of3A_119] : memref<1280000xi32, #tpu.memory_space<hbm>> -> memref<128xi32, #tpu.memory_space<hbm>>
      tpu.enqueue_dma source(%dma_start3A_121 : memref<128xi32, #tpu.memory_space<hbm>>) target(%arg6 : memref<128xi32, #tpu.memory_space<vmem>>) target_semaphore(%arg16 : memref<!tpu.dma_semaphore, #tpu.memory_space<semaphore_mem>>)
      %add3A_122 = arith.constant 320000 : i32
      %add3A_123 = arith.addi %multiple_of3A_119, %add3A_122 : i32
      %dma_start3A_124 = tpu.memref_slice %arg3[%add3A_123] : memref<1280000xi32, #tpu.memory_space<hbm>> -> memref<128xi32, #tpu.memory_space<hbm>>
      %dma_start3A_125 = tpu.memref_slice %arg3[%add3A_123] : memref<1280000xi32, #tpu.memory_space<hbm>> -> memref<128xi32, #tpu.memory_space<hbm>>
      tpu.enqueue_dma source(%dma_start3A_125 : memref<128xi32, #tpu.memory_space<hbm>>) target(%arg7 : memref<128xi32, #tpu.memory_space<vmem>>) target_semaphore(%arg17 : memref<!tpu.dma_semaphore, #tpu.memory_space<semaphore_mem>>)
      %mul3A_126 = arith.constant 2 : i32
      %mul3A_127 = arith.muli %scan3A_87, %mul3A_126 : i32
      %add3A_128 = arith.constant 2 : i32
      %add3A_129 = arith.addi %mul3A_127, %add3A_128 : i32
      %mul3A_130 = arith.constant 128 : i32
      %mul3A_131 = arith.muli %add3A_129, %mul3A_130 : i32
      %add3A_132 = arith.addi %multiple_of3A_5, %mul3A_131 : i32
      %multiple_of3A_133 = tpu.assume_multiple %add3A_132, 8 : i32
      %dma_wait3A_134 = tpu.memref_slice %arg3[%multiple_of3A_133] : memref<1280000xi32, #tpu.memory_space<hbm>> -> memref<128xi32, #tpu.memory_space<hbm>>
      %dma_wait3A_135 = tpu.memref_slice %arg3[%multiple_of3A_133] : memref<1280000xi32, #tpu.memory_space<hbm>> -> memref<128xi32, #tpu.memory_space<hbm>>
      tpu.wait_dma2 semaphore(%arg16 : memref<!tpu.dma_semaphore, #tpu.memory_space<semaphore_mem>>) src(%dma_wait3A_135 : memref<128xi32, #tpu.memory_space<hbm>>) dst(%arg6 : memref<128xi32, #tpu.memory_space<vmem>>)
      %add3A_136 = arith.constant 320000 : i32
      %add3A_137 = arith.addi %multiple_of3A_133, %add3A_136 : i32
      %dma_wait3A_138 = tpu.memref_slice %arg3[%add3A_137] : memref<1280000xi32, #tpu.memory_space<hbm>> -> memref<128xi32, #tpu.memory_space<hbm>>
      %dma_wait3A_139 = tpu.memref_slice %arg3[%add3A_137] : memref<1280000xi32, #tpu.memory_space<hbm>> -> memref<128xi32, #tpu.memory_space<hbm>>
      tpu.wait_dma2 semaphore(%arg17 : memref<!tpu.dma_semaphore, #tpu.memory_space<semaphore_mem>>) src(%dma_wait3A_139 : memref<128xi32, #tpu.memory_space<hbm>>) dst(%arg7 : memref<128xi32, #tpu.memory_space<vmem>>)
      %dma_start3A_140 = arith.constant 0 : i32
      %dma_start3A_141 = arith.constant 0 : i32
      %dma_start3A_142 = tpu.memref_slice %arg2[%dma_start3A_140, %dma_start3A_141] : memref<10000x128xf32, #tpu.memory_space<hbm>> -> memref<10000x128xf32, #tpu.memory_space<hbm>>
      tpu.enqueue_indirect_dma source(%dma_start3A_142 : memref<10000x128xf32, #tpu.memory_space<hbm>>) target(%arg10 : memref<128x128xf32, #tpu.memory_space<vmem>>) offsets(%arg6 : memref<128xi32, #tpu.memory_space<vmem>>) semaphore(%arg15 : memref<!tpu.dma_semaphore, #tpu.memory_space<semaphore_mem>>)
      %dma_wait3A_143 = arith.constant 0 : i32
      %dma_wait3A_144 = arith.constant 0 : i32
      %dma_wait3A_145 = tpu.memref_slice %arg2[%dma_wait3A_143, %dma_wait3A_144] : memref<10000x128xf32, #tpu.memory_space<hbm>> -> memref<10000x128xf32, #tpu.memory_space<hbm>>
      tpu.wait_indirect_dma semaphore(%arg15 : memref<!tpu.dma_semaphore, #tpu.memory_space<semaphore_mem>>) src(%dma_wait3A_145 : memref<10000x128xf32, #tpu.memory_space<hbm>>) dst(%arg10 : memref<128x128xf32, #tpu.memory_space<vmem>>)
      %dma_wait3A_146 = arith.constant 0 : i32
      %dma_wait3A_147 = arith.constant 0 : i32
      %dma_wait3A_148 = tpu.memref_slice %arg5[%dma_wait3A_146, %dma_wait3A_147] : memref<10000x128xf32, #tpu.memory_space<vmem_shared>> -> memref<10000x128xf32, #tpu.memory_space<vmem_shared>>
      tpu.wait_indirect_dma semaphore(%arg21 : memref<!tpu.dma_semaphore, #tpu.memory_space<semaphore_mem>>) src(%arg11 : memref<128x128xf32, #tpu.memory_space<vmem>>) dst(%dma_wait3A_148 : memref<10000x128xf32, #tpu.memory_space<vmem_shared>>)
      %dma_start3A_149 = arith.constant 0 : i32
      %dma_start3A_150 = arith.constant 0 : i32
      %dma_start3A_151 = tpu.memref_slice %arg5[%dma_start3A_149, %dma_start3A_150] : memref<10000x128xf32, #tpu.memory_space<vmem_shared>> -> memref<10000x128xf32, #tpu.memory_space<vmem_shared>>
      tpu.enqueue_indirect_dma source(%arg10 : memref<128x128xf32, #tpu.memory_space<vmem>>) target(%dma_start3A_151 : memref<10000x128xf32, #tpu.memory_space<vmem_shared>>) offsets(%arg7 : memref<128xi32, #tpu.memory_space<vmem>>) semaphore(%arg20 : memref<!tpu.dma_semaphore, #tpu.memory_space<semaphore_mem>>) {add = true}
      %add3A_152 = arith.constant 1 : i32
      %add3A_153 = arith.addi %add3A_129, %add3A_152 : i32
      %mul3A_154 = arith.constant 128 : i32
      %mul3A_155 = arith.muli %add3A_153, %mul3A_154 : i32
      %add3A_156 = arith.addi %multiple_of3A_5, %mul3A_155 : i32
      %multiple_of3A_157 = tpu.assume_multiple %add3A_156, 8 : i32
      %dma_start3A_158 = tpu.memref_slice %arg3[%multiple_of3A_157] : memref<1280000xi32, #tpu.memory_space<hbm>> -> memref<128xi32, #tpu.memory_space<hbm>>
      %dma_start3A_159 = tpu.memref_slice %arg3[%multiple_of3A_157] : memref<1280000xi32, #tpu.memory_space<hbm>> -> memref<128xi32, #tpu.memory_space<hbm>>
      tpu.enqueue_dma source(%dma_start3A_159 : memref<128xi32, #tpu.memory_space<hbm>>) target(%arg8 : memref<128xi32, #tpu.memory_space<vmem>>) target_semaphore(%arg18 : memref<!tpu.dma_semaphore, #tpu.memory_space<semaphore_mem>>)
      %add3A_160 = arith.constant 320000 : i32
      %add3A_161 = arith.addi %multiple_of3A_157, %add3A_160 : i32
      %dma_start3A_162 = tpu.memref_slice %arg3[%add3A_161] : memref<1280000xi32, #tpu.memory_space<hbm>> -> memref<128xi32, #tpu.memory_space<hbm>>
      %dma_start3A_163 = tpu.memref_slice %arg3[%add3A_161] : memref<1280000xi32, #tpu.memory_space<hbm>> -> memref<128xi32, #tpu.memory_space<hbm>>
      tpu.enqueue_dma source(%dma_start3A_163 : memref<128xi32, #tpu.memory_space<hbm>>) target(%arg9 : memref<128xi32, #tpu.memory_space<vmem>>) target_semaphore(%arg19 : memref<!tpu.dma_semaphore, #tpu.memory_space<semaphore_mem>>)
    }
    %scan3A_46 = arith.constant 77 : i32
    %add3A_47 = arith.constant 19840 : i32
    %add3A_48 = arith.addi %multiple_of3A_5, %add3A_47 : i32
    %multiple_of3A_49 = tpu.assume_multiple %add3A_48, 8 : i32
    %dma_wait3A_50 = tpu.memref_slice %arg3[%multiple_of3A_49] : memref<1280000xi32, #tpu.memory_space<hbm>> -> memref<128xi32, #tpu.memory_space<hbm>>
    %dma_wait3A_51 = tpu.memref_slice %arg3[%multiple_of3A_49] : memref<1280000xi32, #tpu.memory_space<hbm>> -> memref<128xi32, #tpu.memory_space<hbm>>
    tpu.wait_dma2 semaphore(%arg18 : memref<!tpu.dma_semaphore, #tpu.memory_space<semaphore_mem>>) src(%dma_wait3A_51 : memref<128xi32, #tpu.memory_space<hbm>>) dst(%arg8 : memref<128xi32, #tpu.memory_space<vmem>>)
    %add3A_52 = arith.constant 320000 : i32
    %add3A_53 = arith.addi %multiple_of3A_49, %add3A_52 : i32
    %dma_wait3A_54 = tpu.memref_slice %arg3[%add3A_53] : memref<1280000xi32, #tpu.memory_space<hbm>> -> memref<128xi32, #tpu.memory_space<hbm>>
    %dma_wait3A_55 = tpu.memref_slice %arg3[%add3A_53] : memref<1280000xi32, #tpu.memory_space<hbm>> -> memref<128xi32, #tpu.memory_space<hbm>>
    tpu.wait_dma2 semaphore(%arg19 : memref<!tpu.dma_semaphore, #tpu.memory_space<semaphore_mem>>) src(%dma_wait3A_55 : memref<128xi32, #tpu.memory_space<hbm>>) dst(%arg9 : memref<128xi32, #tpu.memory_space<vmem>>)
    %dma_start3A_56 = arith.constant 0 : i32
    %dma_start3A_57 = arith.constant 0 : i32
    %dma_start3A_58 = tpu.memref_slice %arg2[%dma_start3A_56, %dma_start3A_57] : memref<10000x128xf32, #tpu.memory_space<hbm>> -> memref<10000x128xf32, #tpu.memory_space<hbm>>
    tpu.enqueue_indirect_dma source(%dma_start3A_58 : memref<10000x128xf32, #tpu.memory_space<hbm>>) target(%arg11 : memref<128x128xf32, #tpu.memory_space<vmem>>) offsets(%arg8 : memref<128xi32, #tpu.memory_space<vmem>>) semaphore(%arg15 : memref<!tpu.dma_semaphore, #tpu.memory_space<semaphore_mem>>)
    %dma_wait3A_59 = arith.constant 0 : i32
    %dma_wait3A_60 = arith.constant 0 : i32
    %dma_wait3A_61 = tpu.memref_slice %arg2[%dma_wait3A_59, %dma_wait3A_60] : memref<10000x128xf32, #tpu.memory_space<hbm>> -> memref<10000x128xf32, #tpu.memory_space<hbm>>
    tpu.wait_indirect_dma semaphore(%arg15 : memref<!tpu.dma_semaphore, #tpu.memory_space<semaphore_mem>>) src(%dma_wait3A_61 : memref<10000x128xf32, #tpu.memory_space<hbm>>) dst(%arg11 : memref<128x128xf32, #tpu.memory_space<vmem>>)
    %dma_wait3A_62 = arith.constant 0 : i32
    %dma_wait3A_63 = arith.constant 0 : i32
    %dma_wait3A_64 = tpu.memref_slice %arg5[%dma_wait3A_62, %dma_wait3A_63] : memref<10000x128xf32, #tpu.memory_space<vmem_shared>> -> memref<10000x128xf32, #tpu.memory_space<vmem_shared>>
    tpu.wait_indirect_dma semaphore(%arg20 : memref<!tpu.dma_semaphore, #tpu.memory_space<semaphore_mem>>) src(%arg10 : memref<128x128xf32, #tpu.memory_space<vmem>>) dst(%dma_wait3A_64 : memref<10000x128xf32, #tpu.memory_space<vmem_shared>>)
    %dma_start3A_65 = arith.constant 0 : i32
    %dma_start3A_66 = arith.constant 0 : i32
    %dma_start3A_67 = tpu.memref_slice %arg5[%dma_start3A_65, %dma_start3A_66] : memref<10000x128xf32, #tpu.memory_space<vmem_shared>> -> memref<10000x128xf32, #tpu.memory_space<vmem_shared>>
    tpu.enqueue_indirect_dma source(%arg11 : memref<128x128xf32, #tpu.memory_space<vmem>>) target(%dma_start3A_67 : memref<10000x128xf32, #tpu.memory_space<vmem_shared>>) offsets(%arg9 : memref<128xi32, #tpu.memory_space<vmem>>) semaphore(%arg21 : memref<!tpu.dma_semaphore, #tpu.memory_space<semaphore_mem>>) {add = true}
    %dma_wait3A_68 = arith.constant 0 : i32
    %dma_wait3A_69 = arith.constant 0 : i32
    %dma_wait3A_70 = tpu.memref_slice %arg5[%dma_wait3A_68, %dma_wait3A_69] : memref<10000x128xf32, #tpu.memory_space<vmem_shared>> -> memref<10000x128xf32, #tpu.memory_space<vmem_shared>>
    tpu.wait_indirect_dma semaphore(%arg21 : memref<!tpu.dma_semaphore, #tpu.memory_space<semaphore_mem>>) src(%arg11 : memref<128x128xf32, #tpu.memory_space<vmem>>) dst(%dma_wait3A_70 : memref<10000x128xf32, #tpu.memory_space<vmem_shared>>)
    %add3A_71 = arith.constant 19968 : i32
    %add3A_72 = arith.addi %multiple_of3A_5, %add3A_71 : i32
    "tpu.region"() ({
      %run_scoped3A = tpu.sem_alloc : memref<!tpu.dma_semaphore, #tpu.memory_space<semaphore_mem>>
      %dma_start3A_87 = tpu.memref_slice %arg3[%add3A_72] : memref<1280000xi32, #tpu.memory_space<hbm>> -> memref<32xi32, #tpu.memory_space<hbm>>
      %dma_start3A_88 = tpu.memref_slice %arg3[%add3A_72] : memref<1280000xi32, #tpu.memory_space<hbm>> -> memref<32xi32, #tpu.memory_space<hbm>>
      tpu.enqueue_dma source(%dma_start3A_88 : memref<32xi32, #tpu.memory_space<hbm>>) target(%arg12 : memref<32xi32, #tpu.memory_space<vmem>>) target_semaphore(%run_scoped3A : memref<!tpu.dma_semaphore, #tpu.memory_space<semaphore_mem>>)
      %dma_wait3A_89 = tpu.memref_slice %arg3[%add3A_72] : memref<1280000xi32, #tpu.memory_space<hbm>> -> memref<32xi32, #tpu.memory_space<hbm>>
      %dma_wait3A_90 = tpu.memref_slice %arg3[%add3A_72] : memref<1280000xi32, #tpu.memory_space<hbm>> -> memref<32xi32, #tpu.memory_space<hbm>>
      tpu.wait_dma2 semaphore(%run_scoped3A : memref<!tpu.dma_semaphore, #tpu.memory_space<semaphore_mem>>) src(%dma_wait3A_90 : memref<32xi32, #tpu.memory_space<hbm>>) dst(%arg12 : memref<32xi32, #tpu.memory_space<vmem>>)
      tpu.yield
    }) : () -> ()
    %add3A_73 = arith.constant 320000 : i32
    %add3A_74 = arith.addi %add3A_72, %add3A_73 : i32
    "tpu.region"() ({
      %run_scoped3A = tpu.sem_alloc : memref<!tpu.dma_semaphore, #tpu.memory_space<semaphore_mem>>
      %dma_start3A_87 = tpu.memref_slice %arg3[%add3A_74] : memref<1280000xi32, #tpu.memory_space<hbm>> -> memref<32xi32, #tpu.memory_space<hbm>>
      %dma_start3A_88 = tpu.memref_slice %arg3[%add3A_74] : memref<1280000xi32, #tpu.memory_space<hbm>> -> memref<32xi32, #tpu.memory_space<hbm>>
      tpu.enqueue_dma source(%dma_start3A_88 : memref<32xi32, #tpu.memory_space<hbm>>) target(%arg13 : memref<32xi32, #tpu.memory_space<vmem>>) target_semaphore(%run_scoped3A : memref<!tpu.dma_semaphore, #tpu.memory_space<semaphore_mem>>)
      %dma_wait3A_89 = tpu.memref_slice %arg3[%add3A_74] : memref<1280000xi32, #tpu.memory_space<hbm>> -> memref<32xi32, #tpu.memory_space<hbm>>
      %dma_wait3A_90 = tpu.memref_slice %arg3[%add3A_74] : memref<1280000xi32, #tpu.memory_space<hbm>> -> memref<32xi32, #tpu.memory_space<hbm>>
      tpu.wait_dma2 semaphore(%run_scoped3A : memref<!tpu.dma_semaphore, #tpu.memory_space<semaphore_mem>>) src(%dma_wait3A_90 : memref<32xi32, #tpu.memory_space<hbm>>) dst(%arg13 : memref<32xi32, #tpu.memory_space<vmem>>)
      tpu.yield
    }) : () -> ()
    %dma_start3A_75 = arith.constant 0 : i32
    %dma_start3A_76 = arith.constant 0 : i32
    %dma_start3A_77 = tpu.memref_slice %arg2[%dma_start3A_75, %dma_start3A_76] : memref<10000x128xf32, #tpu.memory_space<hbm>> -> memref<10000x128xf32, #tpu.memory_space<hbm>>
    tpu.enqueue_indirect_dma source(%dma_start3A_77 : memref<10000x128xf32, #tpu.memory_space<hbm>>) target(%arg14 : memref<32x128xf32, #tpu.memory_space<vmem>>) offsets(%arg12 : memref<32xi32, #tpu.memory_space<vmem>>) semaphore(%arg15 : memref<!tpu.dma_semaphore, #tpu.memory_space<semaphore_mem>>)
    %dma_wait3A_78 = arith.constant 0 : i32
    %dma_wait3A_79 = arith.constant 0 : i32
    %dma_wait3A_80 = tpu.memref_slice %arg2[%dma_wait3A_78, %dma_wait3A_79] : memref<10000x128xf32, #tpu.memory_space<hbm>> -> memref<10000x128xf32, #tpu.memory_space<hbm>>
    tpu.wait_indirect_dma semaphore(%arg15 : memref<!tpu.dma_semaphore, #tpu.memory_space<semaphore_mem>>) src(%dma_wait3A_80 : memref<10000x128xf32, #tpu.memory_space<hbm>>) dst(%arg14 : memref<32x128xf32, #tpu.memory_space<vmem>>)
    "tpu.region"() ({
      %run_scoped3A = tpu.sem_alloc : memref<!tpu.dma_semaphore, #tpu.memory_space<semaphore_mem>>
      %dma_start3A_87 = arith.constant 0 : i32
      %dma_start3A_88 = arith.constant 0 : i32
      %dma_start3A_89 = tpu.memref_slice %arg5[%dma_start3A_87, %dma_start3A_88] : memref<10000x128xf32, #tpu.memory_space<vmem_shared>> -> memref<10000x128xf32, #tpu.memory_space<vmem_shared>>
      tpu.enqueue_indirect_dma source(%arg14 : memref<32x128xf32, #tpu.memory_space<vmem>>) target(%dma_start3A_89 : memref<10000x128xf32, #tpu.memory_space<vmem_shared>>) offsets(%arg13 : memref<32xi32, #tpu.memory_space<vmem>>) semaphore(%run_scoped3A : memref<!tpu.dma_semaphore, #tpu.memory_space<semaphore_mem>>) {add = true}
      %dma_wait3A_90 = arith.constant 0 : i32
      %dma_wait3A_91 = arith.constant 0 : i32
      %dma_wait3A_92 = tpu.memref_slice %arg5[%dma_wait3A_90, %dma_wait3A_91] : memref<10000x128xf32, #tpu.memory_space<vmem_shared>> -> memref<10000x128xf32, #tpu.memory_space<vmem_shared>>
      tpu.wait_indirect_dma semaphore(%run_scoped3A : memref<!tpu.dma_semaphore, #tpu.memory_space<semaphore_mem>>) src(%arg14 : memref<32x128xf32, #tpu.memory_space<vmem>>) dst(%dma_wait3A_92 : memref<10000x128xf32, #tpu.memory_space<vmem_shared>>)
      tpu.yield
    }) : () -> ()
    %barrier3A_81 = arith.constant 0 : index
    tpu.barrier barrier_id(%barrier3A_81)
    "tpu.region"() ({
      %run_scoped3A = tpu.sem_alloc : memref<!tpu.dma_semaphore, #tpu.memory_space<semaphore_mem>>
      %dma_start3A_87 = arith.constant 0 : i32
      %dma_start3A_88 = tpu.memref_slice %arg4[%arg0, %multiple_of3A, %dma_start3A_87] : memref<2x10000x128xf32, #tpu.memory_space<hbm>> -> memref<1x624x128xf32, #tpu.memory_space<hbm>>
      %dma_start3A_89 = tpu.memref_squeeze %dma_start3A_88 : memref<1x624x128xf32, #tpu.memory_space<hbm>> -> memref<624x128xf32, #tpu.memory_space<hbm>>
      %dma_start3A_90 = arith.constant 0 : i32
      %dma_start3A_91 = tpu.memref_slice %arg5[%multiple_of3A, %dma_start3A_90] : memref<10000x128xf32, #tpu.memory_space<vmem_shared>> -> memref<624x128xf32, #tpu.memory_space<vmem_shared>>
      tpu.enqueue_dma source(%dma_start3A_91 : memref<624x128xf32, #tpu.memory_space<vmem_shared>>) target(%dma_start3A_89 : memref<624x128xf32, #tpu.memory_space<hbm>>) target_semaphore(%run_scoped3A : memref<!tpu.dma_semaphore, #tpu.memory_space<semaphore_mem>>)
      %dma_wait3A_92 = arith.constant 0 : i32
      %dma_wait3A_93 = tpu.memref_slice %arg4[%arg0, %multiple_of3A, %dma_wait3A_92] : memref<2x10000x128xf32, #tpu.memory_space<hbm>> -> memref<1x624x128xf32, #tpu.memory_space<hbm>>
      %dma_wait3A_94 = tpu.memref_squeeze %dma_wait3A_93 : memref<1x624x128xf32, #tpu.memory_space<hbm>> -> memref<624x128xf32, #tpu.memory_space<hbm>>
      %dma_wait3A_95 = arith.constant 0 : i32
      %dma_wait3A_96 = tpu.memref_slice %arg5[%multiple_of3A, %dma_wait3A_95] : memref<10000x128xf32, #tpu.memory_space<vmem_shared>> -> memref<624x128xf32, #tpu.memory_space<vmem_shared>>
      tpu.wait_dma2 semaphore(%run_scoped3A : memref<!tpu.dma_semaphore, #tpu.memory_space<semaphore_mem>>) src(%dma_wait3A_96 : memref<624x128xf32, #tpu.memory_space<vmem_shared>>) dst(%dma_wait3A_94 : memref<624x128xf32, #tpu.memory_space<hbm>>)
      tpu.yield
    }) : () -> ()
    %eq3A_82 = arith.constant 15 : i32
    %eq3A_83 = arith.cmpi eq, %arg1, %eq3A_82 : i32
    %convert_element_type3A_84 = arith.extui %eq3A_83 : i1 to i32
    %cond3A_85 = arith.constant 0 : i32
    %cond3A_86 = arith.cmpi ne, %convert_element_type3A_84, %cond3A_85 : i32
    scf.if %cond3A_86 {
      "tpu.region"() ({
        %run_scoped3A = tpu.sem_alloc : memref<!tpu.dma_semaphore, #tpu.memory_space<semaphore_mem>>
        %dma_start3A_87 = arith.constant 9984 : i32
        %dma_start3A_88 = arith.constant 0 : i32
        %dma_start3A_89 = tpu.memref_slice %arg4[%arg0, %dma_start3A_87, %dma_start3A_88] : memref<2x10000x128xf32, #tpu.memory_space<hbm>> -> memref<1x16x128xf32, #tpu.memory_space<hbm>>
        %dma_start3A_90 = tpu.memref_squeeze %dma_start3A_89 : memref<1x16x128xf32, #tpu.memory_space<hbm>> -> memref<16x128xf32, #tpu.memory_space<hbm>>
        %dma_start3A_91 = arith.constant 9984 : i32
        %dma_start3A_92 = arith.constant 0 : i32
        %dma_start3A_93 = tpu.memref_slice %arg5[%dma_start3A_91, %dma_start3A_92] : memref<10000x128xf32, #tpu.memory_space<vmem_shared>> -> memref<16x128xf32, #tpu.memory_space<vmem_shared>>
        tpu.enqueue_dma source(%dma_start3A_93 : memref<16x128xf32, #tpu.memory_space<vmem_shared>>) target(%dma_start3A_90 : memref<16x128xf32, #tpu.memory_space<hbm>>) target_semaphore(%run_scoped3A : memref<!tpu.dma_semaphore, #tpu.memory_space<semaphore_mem>>)
        %dma_wait3A_94 = arith.constant 9984 : i32
        %dma_wait3A_95 = arith.constant 0 : i32
        %dma_wait3A_96 = tpu.memref_slice %arg4[%arg0, %dma_wait3A_94, %dma_wait3A_95] : memref<2x10000x128xf32, #tpu.memory_space<hbm>> -> memref<1x16x128xf32, #tpu.memory_space<hbm>>
        %dma_wait3A_97 = tpu.memref_squeeze %dma_wait3A_96 : memref<1x16x128xf32, #tpu.memory_space<hbm>> -> memref<16x128xf32, #tpu.memory_space<hbm>>
        %dma_wait3A_98 = arith.constant 9984 : i32
        %dma_wait3A_99 = arith.constant 0 : i32
        %dma_wait3A_100 = tpu.memref_slice %arg5[%dma_wait3A_98, %dma_wait3A_99] : memref<10000x128xf32, #tpu.memory_space<vmem_shared>> -> memref<16x128xf32, #tpu.memory_space<vmem_shared>>
        tpu.wait_dma2 semaphore(%run_scoped3A : memref<!tpu.dma_semaphore, #tpu.memory_space<semaphore_mem>>) src(%dma_wait3A_100 : memref<16x128xf32, #tpu.memory_space<vmem_shared>>) dst(%dma_wait3A_97 : memref<16x128xf32, #tpu.memory_space<hbm>>)
        tpu.yield
      }) : () -> ()
    } else {
    }
    return
  }
}

module attributes {stable_mosaic.version = 14 : i64} {
  func.func @body(%arg0: memref<2x10000x128xf32, #tpu.memory_space<vmem>>, %arg1: memref<128x128xf32, #tpu.memory_space<vmem>>, %arg2: memref<128x128xf32, #tpu.memory_space<vmem>>, %arg3: memref<1x128xf32, #tpu.memory_space<vmem>>, %arg4: memref<1x128xf32, #tpu.memory_space<vmem>>, %arg5: memref<1x128xf32, #tpu.memory_space<vmem>>, %arg6: memref<1x128xf32, #tpu.memory_space<vmem>>, %arg7: memref<128x128xf32, #tpu.memory_space<vmem>>, %arg8: memref<128x128xf32, #tpu.memory_space<vmem>>, %arg9: memref<1x128xf32, #tpu.memory_space<vmem>>, %arg10: memref<1x128xf32, #tpu.memory_space<vmem>>, %arg11: memref<1x128xf32, #tpu.memory_space<vmem>>, %arg12: memref<1x128xf32, #tpu.memory_space<vmem>>, %arg13: memref<10000x128xf32, #tpu.memory_space<vmem>>) attributes {dimension_semantics = [], scalar_prefetch = 0 : i64, scratch_operands = 0 : i64, tpu.core_type = #tpu.core_type<tc>} {
    %get3A = arith.constant 0 : index
    %get3A_0 = arith.constant 0 : index
    %get3A_1 = arith.constant 0 : index
    %get3A_2 = vector.load %arg0[%get3A, %get3A_0, %get3A_1] : memref<2x10000x128xf32, #tpu.memory_space<vmem>>, vector<1x10000x128xf32>
    %get3A_3 = vector.shape_cast %get3A_2 : vector<1x10000x128xf32> to vector<10000x128xf32>
    %get3A_4 = arith.constant 0 : index
    %get3A_5 = arith.constant 0 : index
    %get3A_6 = vector.load %arg1[%get3A_4, %get3A_5] : memref<128x128xf32, #tpu.memory_space<vmem>>, vector<128x128xf32>
    %get3A_7 = arith.constant 0 : index
    %get3A_8 = arith.constant 0 : index
    %get3A_9 = vector.load %arg2[%get3A_7, %get3A_8] : memref<128x128xf32, #tpu.memory_space<vmem>>, vector<128x128xf32>
    %get3A_10 = arith.constant 0 : index
    %get3A_11 = arith.constant 0 : index
    %get3A_12 = vector.load %arg3[%get3A_10, %get3A_11] : memref<1x128xf32, #tpu.memory_space<vmem>>, vector<1x128xf32>
    %get3A_13 = arith.constant 0 : index
    %get3A_14 = arith.constant 0 : index
    %get3A_15 = vector.load %arg4[%get3A_13, %get3A_14] : memref<1x128xf32, #tpu.memory_space<vmem>>, vector<1x128xf32>
    %get3A_16 = arith.constant 0 : index
    %get3A_17 = arith.constant 0 : index
    %get3A_18 = vector.load %arg5[%get3A_16, %get3A_17] : memref<1x128xf32, #tpu.memory_space<vmem>>, vector<1x128xf32>
    %get3A_19 = arith.constant 0 : index
    %get3A_20 = arith.constant 0 : index
    %get3A_21 = vector.load %arg6[%get3A_19, %get3A_20] : memref<1x128xf32, #tpu.memory_space<vmem>>, vector<1x128xf32>
    %dot_general3A = arith.constant dense<0.000000e+00> : vector<10000x128xf32>
    %dot_general3A_22 = tpu.matmul %get3A_3, %get3A_6, %dot_general3A {dimension_numbers = #tpu.dot_dimension_numbers<[1], [0], [0], [1], [0, 0, 1, 1], [], []>, transpose_lhs_hint = false} : vector<10000x128xf32>, vector<128x128xf32>, vector<10000x128xf32> -> vector<10000x128xf32>
    %reduce_sum3A = arith.constant dense<0.000000e+00> : vector<128xf32>
    %reduce_sum3A_23 = vector.multi_reduction <add>, %dot_general3A_22, %reduce_sum3A [0] : vector<10000x128xf32> to vector<128xf32>
    %broadcast_in_dim3A = vector.shape_cast %reduce_sum3A_23 : vector<128xf32> to vector<1x128xf32>
    %div3A = arith.constant 1.000000e+04 : f32
    %div3A_24 = vector.broadcast %div3A : f32 to vector<1x128xf32>
    %div3A_25 = arith.divf %broadcast_in_dim3A, %div3A_24 : vector<1x128xf32>
    %sub3A = vector.broadcast %div3A_25 : vector<1x128xf32> to vector<10000x128xf32>
    %sub3A_26 = arith.subf %dot_general3A_22, %sub3A : vector<10000x128xf32>
    %sub3A_27 = vector.broadcast %div3A_25 : vector<1x128xf32> to vector<10000x128xf32>
    %sub3A_28 = arith.subf %dot_general3A_22, %sub3A_27 : vector<10000x128xf32>
    %mul3A = arith.mulf %sub3A_26, %sub3A_28 : vector<10000x128xf32>
    %reduce_sum3A_29 = arith.constant dense<0.000000e+00> : vector<128xf32>
    %reduce_sum3A_30 = vector.multi_reduction <add>, %mul3A, %reduce_sum3A_29 [0] : vector<10000x128xf32> to vector<128xf32>
    %broadcast_in_dim3A_31 = vector.shape_cast %reduce_sum3A_30 : vector<128xf32> to vector<1x128xf32>
    %div3A_32 = arith.constant 1.000000e+04 : f32
    %div3A_33 = vector.broadcast %div3A_32 : f32 to vector<1x128xf32>
    %div3A_34 = arith.divf %broadcast_in_dim3A_31, %div3A_33 : vector<1x128xf32>
    %sub3A_35 = vector.broadcast %div3A_25 : vector<1x128xf32> to vector<10000x128xf32>
    %sub3A_36 = arith.subf %dot_general3A_22, %sub3A_35 : vector<10000x128xf32>
    %add3A = arith.constant 9.99999974E-6 : f32
    %add3A_37 = vector.broadcast %add3A : f32 to vector<1x128xf32>
    %add3A_38 = arith.addf %div3A_34, %add3A_37 : vector<1x128xf32>
    %rsqrt3A = math.rsqrt %add3A_38 : vector<1x128xf32>
    %mul3A_39 = vector.broadcast %rsqrt3A : vector<1x128xf32> to vector<10000x128xf32>
    %mul3A_40 = arith.mulf %sub3A_36, %mul3A_39 : vector<10000x128xf32>
    %mul3A_41 = vector.broadcast %get3A_12 : vector<1x128xf32> to vector<10000x128xf32>
    %mul3A_42 = arith.mulf %mul3A_40, %mul3A_41 : vector<10000x128xf32>
    %add3A_43 = vector.broadcast %get3A_15 : vector<1x128xf32> to vector<10000x128xf32>
    %add3A_44 = arith.addf %mul3A_42, %add3A_43 : vector<10000x128xf32>
    %max3A = arith.constant 0.000000e+00 : f32
    %max3A_45 = vector.broadcast %max3A : f32 to vector<10000x128xf32>
    %max3A_46 = arith.maximumf %add3A_44, %max3A_45 : vector<10000x128xf32>
    %dot_general3A_47 = arith.constant dense<0.000000e+00> : vector<10000x128xf32>
    %dot_general3A_48 = tpu.matmul %max3A_46, %get3A_9, %dot_general3A_47 {dimension_numbers = #tpu.dot_dimension_numbers<[1], [0], [0], [1], [0, 0, 1, 1], [], []>, transpose_lhs_hint = false} : vector<10000x128xf32>, vector<128x128xf32>, vector<10000x128xf32> -> vector<10000x128xf32>
    %reduce_sum3A_49 = arith.constant dense<0.000000e+00> : vector<128xf32>
    %reduce_sum3A_50 = vector.multi_reduction <add>, %dot_general3A_48, %reduce_sum3A_49 [0] : vector<10000x128xf32> to vector<128xf32>
    %broadcast_in_dim3A_51 = vector.shape_cast %reduce_sum3A_50 : vector<128xf32> to vector<1x128xf32>
    %div3A_52 = arith.constant 1.000000e+04 : f32
    %div3A_53 = vector.broadcast %div3A_52 : f32 to vector<1x128xf32>
    %div3A_54 = arith.divf %broadcast_in_dim3A_51, %div3A_53 : vector<1x128xf32>
    %sub3A_55 = vector.broadcast %div3A_54 : vector<1x128xf32> to vector<10000x128xf32>
    %sub3A_56 = arith.subf %dot_general3A_48, %sub3A_55 : vector<10000x128xf32>
    %sub3A_57 = vector.broadcast %div3A_54 : vector<1x128xf32> to vector<10000x128xf32>
    %sub3A_58 = arith.subf %dot_general3A_48, %sub3A_57 : vector<10000x128xf32>
    %mul3A_59 = arith.mulf %sub3A_56, %sub3A_58 : vector<10000x128xf32>
    %reduce_sum3A_60 = arith.constant dense<0.000000e+00> : vector<128xf32>
    %reduce_sum3A_61 = vector.multi_reduction <add>, %mul3A_59, %reduce_sum3A_60 [0] : vector<10000x128xf32> to vector<128xf32>
    %broadcast_in_dim3A_62 = vector.shape_cast %reduce_sum3A_61 : vector<128xf32> to vector<1x128xf32>
    %div3A_63 = arith.constant 1.000000e+04 : f32
    %div3A_64 = vector.broadcast %div3A_63 : f32 to vector<1x128xf32>
    %div3A_65 = arith.divf %broadcast_in_dim3A_62, %div3A_64 : vector<1x128xf32>
    %sub3A_66 = vector.broadcast %div3A_54 : vector<1x128xf32> to vector<10000x128xf32>
    %sub3A_67 = arith.subf %dot_general3A_48, %sub3A_66 : vector<10000x128xf32>
    %add3A_68 = arith.constant 9.99999974E-6 : f32
    %add3A_69 = vector.broadcast %add3A_68 : f32 to vector<1x128xf32>
    %add3A_70 = arith.addf %div3A_65, %add3A_69 : vector<1x128xf32>
    %rsqrt3A_71 = math.rsqrt %add3A_70 : vector<1x128xf32>
    %mul3A_72 = vector.broadcast %rsqrt3A_71 : vector<1x128xf32> to vector<10000x128xf32>
    %mul3A_73 = arith.mulf %sub3A_67, %mul3A_72 : vector<10000x128xf32>
    %mul3A_74 = vector.broadcast %get3A_18 : vector<1x128xf32> to vector<10000x128xf32>
    %mul3A_75 = arith.mulf %mul3A_73, %mul3A_74 : vector<10000x128xf32>
    %add3A_76 = vector.broadcast %get3A_21 : vector<1x128xf32> to vector<10000x128xf32>
    %add3A_77 = arith.addf %mul3A_75, %add3A_76 : vector<10000x128xf32>
    %max3A_78 = arith.constant 0.000000e+00 : f32
    %max3A_79 = vector.broadcast %max3A_78 : f32 to vector<10000x128xf32>
    %max3A_80 = arith.maximumf %add3A_77, %max3A_79 : vector<10000x128xf32>
    %get3A_81 = arith.constant 1 : index
    %get3A_82 = arith.constant 0 : index
    %get3A_83 = arith.constant 0 : index
    %get3A_84 = vector.load %arg0[%get3A_81, %get3A_82, %get3A_83] : memref<2x10000x128xf32, #tpu.memory_space<vmem>>, vector<1x10000x128xf32>
    %get3A_85 = vector.shape_cast %get3A_84 : vector<1x10000x128xf32> to vector<10000x128xf32>
    %get3A_86 = arith.constant 0 : index
    %get3A_87 = arith.constant 0 : index
    %get3A_88 = vector.load %arg7[%get3A_86, %get3A_87] : memref<128x128xf32, #tpu.memory_space<vmem>>, vector<128x128xf32>
    %get3A_89 = arith.constant 0 : index
    %get3A_90 = arith.constant 0 : index
    %get3A_91 = vector.load %arg8[%get3A_89, %get3A_90] : memref<128x128xf32, #tpu.memory_space<vmem>>, vector<128x128xf32>
    %get3A_92 = arith.constant 0 : index
    %get3A_93 = arith.constant 0 : index
    %get3A_94 = vector.load %arg9[%get3A_92, %get3A_93] : memref<1x128xf32, #tpu.memory_space<vmem>>, vector<1x128xf32>
    %get3A_95 = arith.constant 0 : index
    %get3A_96 = arith.constant 0 : index
    %get3A_97 = vector.load %arg10[%get3A_95, %get3A_96] : memref<1x128xf32, #tpu.memory_space<vmem>>, vector<1x128xf32>
    %get3A_98 = arith.constant 0 : index
    %get3A_99 = arith.constant 0 : index
    %get3A_100 = vector.load %arg11[%get3A_98, %get3A_99] : memref<1x128xf32, #tpu.memory_space<vmem>>, vector<1x128xf32>
    %get3A_101 = arith.constant 0 : index
    %get3A_102 = arith.constant 0 : index
    %get3A_103 = vector.load %arg12[%get3A_101, %get3A_102] : memref<1x128xf32, #tpu.memory_space<vmem>>, vector<1x128xf32>
    %dot_general3A_104 = arith.constant dense<0.000000e+00> : vector<10000x128xf32>
    %dot_general3A_105 = tpu.matmul %get3A_85, %get3A_88, %dot_general3A_104 {dimension_numbers = #tpu.dot_dimension_numbers<[1], [0], [0], [1], [0, 0, 1, 1], [], []>, transpose_lhs_hint = false} : vector<10000x128xf32>, vector<128x128xf32>, vector<10000x128xf32> -> vector<10000x128xf32>
    %reduce_sum3A_106 = arith.constant dense<0.000000e+00> : vector<128xf32>
    %reduce_sum3A_107 = vector.multi_reduction <add>, %dot_general3A_105, %reduce_sum3A_106 [0] : vector<10000x128xf32> to vector<128xf32>
    %broadcast_in_dim3A_108 = vector.shape_cast %reduce_sum3A_107 : vector<128xf32> to vector<1x128xf32>
    %div3A_109 = arith.constant 1.000000e+04 : f32
    %div3A_110 = vector.broadcast %div3A_109 : f32 to vector<1x128xf32>
    %div3A_111 = arith.divf %broadcast_in_dim3A_108, %div3A_110 : vector<1x128xf32>
    %sub3A_112 = vector.broadcast %div3A_111 : vector<1x128xf32> to vector<10000x128xf32>
    %sub3A_113 = arith.subf %dot_general3A_105, %sub3A_112 : vector<10000x128xf32>
    %sub3A_114 = vector.broadcast %div3A_111 : vector<1x128xf32> to vector<10000x128xf32>
    %sub3A_115 = arith.subf %dot_general3A_105, %sub3A_114 : vector<10000x128xf32>
    %mul3A_116 = arith.mulf %sub3A_113, %sub3A_115 : vector<10000x128xf32>
    %reduce_sum3A_117 = arith.constant dense<0.000000e+00> : vector<128xf32>
    %reduce_sum3A_118 = vector.multi_reduction <add>, %mul3A_116, %reduce_sum3A_117 [0] : vector<10000x128xf32> to vector<128xf32>
    %broadcast_in_dim3A_119 = vector.shape_cast %reduce_sum3A_118 : vector<128xf32> to vector<1x128xf32>
    %div3A_120 = arith.constant 1.000000e+04 : f32
    %div3A_121 = vector.broadcast %div3A_120 : f32 to vector<1x128xf32>
    %div3A_122 = arith.divf %broadcast_in_dim3A_119, %div3A_121 : vector<1x128xf32>
    %sub3A_123 = vector.broadcast %div3A_111 : vector<1x128xf32> to vector<10000x128xf32>
    %sub3A_124 = arith.subf %dot_general3A_105, %sub3A_123 : vector<10000x128xf32>
    %add3A_125 = arith.constant 9.99999974E-6 : f32
    %add3A_126 = vector.broadcast %add3A_125 : f32 to vector<1x128xf32>
    %add3A_127 = arith.addf %div3A_122, %add3A_126 : vector<1x128xf32>
    %rsqrt3A_128 = math.rsqrt %add3A_127 : vector<1x128xf32>
    %mul3A_129 = vector.broadcast %rsqrt3A_128 : vector<1x128xf32> to vector<10000x128xf32>
    %mul3A_130 = arith.mulf %sub3A_124, %mul3A_129 : vector<10000x128xf32>
    %mul3A_131 = vector.broadcast %get3A_94 : vector<1x128xf32> to vector<10000x128xf32>
    %mul3A_132 = arith.mulf %mul3A_130, %mul3A_131 : vector<10000x128xf32>
    %add3A_133 = vector.broadcast %get3A_97 : vector<1x128xf32> to vector<10000x128xf32>
    %add3A_134 = arith.addf %mul3A_132, %add3A_133 : vector<10000x128xf32>
    %max3A_135 = arith.constant 0.000000e+00 : f32
    %max3A_136 = vector.broadcast %max3A_135 : f32 to vector<10000x128xf32>
    %max3A_137 = arith.maximumf %add3A_134, %max3A_136 : vector<10000x128xf32>
    %dot_general3A_138 = arith.constant dense<0.000000e+00> : vector<10000x128xf32>
    %dot_general3A_139 = tpu.matmul %max3A_137, %get3A_91, %dot_general3A_138 {dimension_numbers = #tpu.dot_dimension_numbers<[1], [0], [0], [1], [0, 0, 1, 1], [], []>, transpose_lhs_hint = false} : vector<10000x128xf32>, vector<128x128xf32>, vector<10000x128xf32> -> vector<10000x128xf32>
    %reduce_sum3A_140 = arith.constant dense<0.000000e+00> : vector<128xf32>
    %reduce_sum3A_141 = vector.multi_reduction <add>, %dot_general3A_139, %reduce_sum3A_140 [0] : vector<10000x128xf32> to vector<128xf32>
    %broadcast_in_dim3A_142 = vector.shape_cast %reduce_sum3A_141 : vector<128xf32> to vector<1x128xf32>
    %div3A_143 = arith.constant 1.000000e+04 : f32
    %div3A_144 = vector.broadcast %div3A_143 : f32 to vector<1x128xf32>
    %div3A_145 = arith.divf %broadcast_in_dim3A_142, %div3A_144 : vector<1x128xf32>
    %sub3A_146 = vector.broadcast %div3A_145 : vector<1x128xf32> to vector<10000x128xf32>
    %sub3A_147 = arith.subf %dot_general3A_139, %sub3A_146 : vector<10000x128xf32>
    %sub3A_148 = vector.broadcast %div3A_145 : vector<1x128xf32> to vector<10000x128xf32>
    %sub3A_149 = arith.subf %dot_general3A_139, %sub3A_148 : vector<10000x128xf32>
    %mul3A_150 = arith.mulf %sub3A_147, %sub3A_149 : vector<10000x128xf32>
    %reduce_sum3A_151 = arith.constant dense<0.000000e+00> : vector<128xf32>
    %reduce_sum3A_152 = vector.multi_reduction <add>, %mul3A_150, %reduce_sum3A_151 [0] : vector<10000x128xf32> to vector<128xf32>
    %broadcast_in_dim3A_153 = vector.shape_cast %reduce_sum3A_152 : vector<128xf32> to vector<1x128xf32>
    %div3A_154 = arith.constant 1.000000e+04 : f32
    %div3A_155 = vector.broadcast %div3A_154 : f32 to vector<1x128xf32>
    %div3A_156 = arith.divf %broadcast_in_dim3A_153, %div3A_155 : vector<1x128xf32>
    %sub3A_157 = vector.broadcast %div3A_145 : vector<1x128xf32> to vector<10000x128xf32>
    %sub3A_158 = arith.subf %dot_general3A_139, %sub3A_157 : vector<10000x128xf32>
    %add3A_159 = arith.constant 9.99999974E-6 : f32
    %add3A_160 = vector.broadcast %add3A_159 : f32 to vector<1x128xf32>
    %add3A_161 = arith.addf %div3A_156, %add3A_160 : vector<1x128xf32>
    %rsqrt3A_162 = math.rsqrt %add3A_161 : vector<1x128xf32>
    %mul3A_163 = vector.broadcast %rsqrt3A_162 : vector<1x128xf32> to vector<10000x128xf32>
    %mul3A_164 = arith.mulf %sub3A_158, %mul3A_163 : vector<10000x128xf32>
    %mul3A_165 = vector.broadcast %get3A_100 : vector<1x128xf32> to vector<10000x128xf32>
    %mul3A_166 = arith.mulf %mul3A_164, %mul3A_165 : vector<10000x128xf32>
    %add3A_167 = vector.broadcast %get3A_103 : vector<1x128xf32> to vector<10000x128xf32>
    %add3A_168 = arith.addf %mul3A_166, %add3A_167 : vector<10000x128xf32>
    %max3A_169 = arith.constant 0.000000e+00 : f32
    %max3A_170 = vector.broadcast %max3A_169 : f32 to vector<10000x128xf32>
    %max3A_171 = arith.maximumf %add3A_168, %max3A_170 : vector<10000x128xf32>
    %add3A_172 = arith.addf %max3A_80, %max3A_171 : vector<10000x128xf32>
    %swap3A = arith.constant 0 : index
    %swap3A_173 = arith.constant 0 : index
    %swap3A_174 = vector.load %arg13[%swap3A, %swap3A_173] : memref<10000x128xf32, #tpu.memory_space<vmem>>, vector<10000x128xf32>
    tpu.vector_store %arg13[%swap3A, %swap3A_173], %add3A_172 {strides = array<i32>} : memref<10000x128xf32, #tpu.memory_space<vmem>>, vector<10000x128xf32>,
    return
  }
}

</mosaic_0001>

<sc_bundles>
// kernel: kernel.4.cloned.1.call-start
scs
__scs_entry_jumppad:
0x0: {  	(pc) =	sbr.rel $0x88, $3  }
0x1: {  	(tag) =	ssettag $0x0;
	lr =	simm.s32 $0x1  }
0x2: {  	[smem:$0x3F92] =	sst lr;
	_ =	strace $0xD0000000  }
0x3: {  	_ = 	snop  }
0x4: {  	_ = 	snop  }
0x5: {  	_ = 	snop  }
0x6: {  	_ = 	snop  }
0x7: {  	_ = 	snop  }
__scs_overlays_trampoline_lowered:
0x8: {  	[smem:$0x3FA1] =	sst s0  }
0x9: {  	[smem:$0x3FA2] =	sst s1  }
0xa: {  	[smem:$0x3FA3] =	sst s2  }
0xb: {  	[smem:$0x3FA4] =	sst s3  }
0xc: {  	[smem:$0x3FA5] =	sst s4  }
0xd: {  	[smem:$0x3FA6] =	sst s5  }
0xe: {  	[smem:$0x3FA7] =	sst s6  }
0xf: {  	[smem:$0x3FA8] =	sst s7  }
0x10: {  	[smem:$0x3FA9] =	sst s8  }
0x11: {  	[smem:$0x3FAA] =	sst s9;
	s0 =	simm.s32 @!p0 $0x0  }
0x12: {  	s1 =	sld [smem:$0x3F90];
	s0 =	simm.s32 @p0 $0x1  }
0x13: {  	[smem:$0x3FAB] =	sst s0;
	s0 =	simm.s32 @!p1 $0x0  }
0x14: {  	s2 =	sld [smem:$0x3F8F];
	s0 =	simm.s32 @p1 $0x1  }
0x15: {  	[smem:$0x3FAC] =	sst s0;
	s0 =	simm.s32 @!p2 $0x0  }
0x16: {  	s3 =	sld [smem:$0x3FDB];
	s0 =	simm.s32 @p2 $0x1  }
0x17: {  	s4 =	simm.s32 $0x1BF5;
	[smem:$0x3FAE] =	sst s0  }
0x18: {  	s0 =	sld [smem:$0x3F91];
	_ =	swait.ge [sflag:s4], $0x0  }
0x19: {  	s7 =	sld [smem:$0x3F92]  }
0x1a: {  	s8 =	sadd.s32 $0xFFFFE003, lr  }
0x1b: {  	s9 =	sadd.s32 $0xFFFFFEF7, lr;
	s5 =	simm.s32 $0xFFFFFFFF;
	p2 =	slt.u32 s8, $0xFFFFF086  }
0x1c: {  	p1 =	slt.u32 s9, $0xF7A;
	s5 =	simm.s32 @!p2 $0x0  }
0x1d: {  	s5 =	simm.s32 @p1 $0x1;
	p0 =	seq.s32 s7, s2  }
0x1e: {  	s7 =	smul.u32 @!p0 $0xF7A, s2;
	p2 =	seq.s32 @!p0 s5, $0x0  }
0x1f: {  	s9 =	smul.u32 $0xF7A, s1;
	s8 =	simm.s32 @!p0 $0x1BF5;
	p2 =	por !p2, p0  }
0x20: {  	[sflag:s8] =	ssyncset.s32 @!p0 $0xFFFFF086;
	s6 =	sadd.s32 @!p0 s3, s7;
	s7 =	simm.s32 @!p0 $0x108  }
0x21: {  	s3 =	sadd.s32 s3, s9;
	s6 =	sadd.s32 @!p0 $0x88, s6;
	s7 =	simm.s32 @p2 $0x1082  }
0x22: {  	[simem:s7], [sflag:s8] =	dma.local @!p0 [hbm:s6], $0xF7A  }
0x23: {  	s9 =	sor.u32 $0xD0000000, s2;
	s6 =	simm.s32 $0x108;
	_ =	swait.ge @!p0 [sflag:s8], $0x0  }
0x24: {  	s3 =	sadd.s32 $0x88, s3;
	s6 =	simm.s32 @!p1 $0x1082;
	[sflag:s4] =	ssyncset.s32 $0xFFFFF086  }
0x25: {  	[simem:s6], [sflag:s4] =	dma.local [hbm:s3], $0xF7A  }
0x26: {  	[smem:$0x3F92] =	sst s1;
	(tag) =	ssettag s2;
	_ =	strace s9  }
0x27: {  	s1 =	sld [smem:$0x3FA2]  }
0x28: {  	s2 =	sld [smem:$0x3FA3]  }
0x29: {  	s4 =	sld [smem:$0x3FA5]  }
0x2a: {  	p0 =	seq.s32 s5, $0x0;
	s5 =	sld [smem:$0x3FA6]  }
0x2b: {  	s6 =	sld [smem:$0x3FA7]  }
0x2c: {  	s7 =	sld [smem:$0x3FA8]  }
0x2d: {  	s3 =	simm.s32 $0x108;
	s8 =	sld [smem:$0x3FA9]  }
0x2e: {  	s3 =	simm.s32 @!p0 $0x1082;
	s9 =	sld [smem:$0x3FAA]  }
0x2f: {  	lr =	sadd.s32 s0, s3;
	s0 =	sld [smem:$0x3FA1]  }
0x30: {  	s3 =	sld [smem:$0x3FA4]  }
0x31: {  	[smem:$0x3FAD] =	sst s10  }
0x32: {  	s10 =	sld [smem:$0x3FAB];
	_ =	sdelay $0x3  }
0x33: {  	p0 =	seq.s32 s10, $0x1;
	s10 =	sld [smem:$0x3FAD];
	_ =	sdelay $0x3  }
0x34: {  	[smem:$0x3FAD] =	sst s10  }
0x35: {  	s10 =	sld [smem:$0x3FAC];
	_ =	sdelay $0x3  }
0x36: {  	p1 =	seq.s32 s10, $0x1;
	s10 =	sld [smem:$0x3FAD];
	_ =	sdelay $0x3  }
0x37: {  	[smem:$0x3FAD] =	sst s10  }
0x38: {  	s10 =	sld [smem:$0x3FAE]  }
0x39: {  	_ = 	snop;
	(pc) =	sbr.ind lr, $3  }
0x3a: {  	_ = 	snop  }
0x3b: {  	_ = 	snop  }
0x3c: {  	p2 =	seq.s32 s10, $0x1;
	s10 =	sld [smem:$0x3FAD]  }
0x3d: {  	_ =	shalt  }
0x3e: {  	_ =	shalt  }
0x3f: {  	_ =	shalt  }
0x40: {  	_ =	shalt  }
0x41: {  	_ =	shalt  }
0x42: {  	_ =	shalt  }
0x43: {  	_ =	shalt  }
0x44: {  	_ =	shalt  }
0x45: {  	_ =	shalt  }
0x46: {  	_ =	shalt  }
0x47: {  	_ =	shalt  }
0x48: {  	_ =	shalt  }
0x49: {  	_ =	shalt  }
0x4a: {  	_ =	shalt  }
0x4b: {  	_ =	shalt  }
0x4c: {  	_ =	shalt  }
0x4d: {  	_ =	shalt  }
0x4e: {  	_ =	shalt  }
0x4f: {  	_ =	shalt  }
0x50: {  	_ =	shalt  }
0x51: {  	_ =	shalt  }
0x52: {  	_ =	shalt  }
0x53: {  	_ =	shalt  }
0x54: {  	_ =	shalt  }
0x55: {  	_ =	shalt  }
0x56: {  	_ =	shalt  }
0x57: {  	_ =	shalt  }
0x58: {  	_ =	shalt  }
0x59: {  	_ =	shalt  }
0x5a: {  	_ =	shalt  }
0x5b: {  	_ =	shalt  }
0x5c: {  	_ =	shalt  }
0x5d: {  	_ =	shalt  }
0x5e: {  	_ =	shalt  }
0x5f: {  	_ =	shalt  }
0x60: {  	_ =	shalt  }
0x61: {  	_ =	shalt  }
0x62: {  	_ =	shalt  }
0x63: {  	_ =	shalt  }
0x64: {  	_ =	shalt  }
0x65: {  	_ =	shalt  }
0x66: {  	_ =	shalt  }
0x67: {  	_ =	shalt  }
0x68: {  	_ =	shalt  }
0x69: {  	_ =	shalt  }
0x6a: {  	_ =	shalt  }
0x6b: {  	_ =	shalt  }
0x6c: {  	_ =	shalt  }
0x6d: {  	_ =	shalt  }
0x6e: {  	_ =	shalt  }
0x6f: {  	_ =	shalt  }
0x70: {  	_ =	shalt  }
0x71: {  	_ =	shalt  }
0x72: {  	_ =	shalt  }
0x73: {  	_ =	shalt  }
0x74: {  	_ =	shalt  }
0x75: {  	_ =	shalt  }
0x76: {  	_ =	shalt  }
0x77: {  	_ =	shalt  }
0x78: {  	_ =	shalt  }
0x79: {  	_ =	shalt  }
0x7a: {  	_ =	shalt  }
0x7b: {  	_ =	shalt  }
0x7c: {  	_ =	shalt  }
0x7d: {  	_ =	shalt  }
0x7e: {  	_ =	shalt  }
0x7f: {  	_ =	shalt  }
0x80: {  	_ =	shalt  }
0x81: {  	_ =	shalt  }
0x82: {  	_ =	shalt  }
0x83: {  	_ =	shalt  }
0x84: {  	_ =	shalt  }
0x85: {  	_ =	shalt  }
0x86: {  	_ =	shalt  }
0x87: {  	_ =	shalt  }
.Lfunc_end0:
.L_simem_size_0:
called_computation_lowered:
.L_overlay_start_0:
0x88: {  	s2 =	sld [smem:$0x3FD9]  }
0x89: {  	s3 =	sld [smem:$0x3FFE];
	_ =	sdelay $0x1  }
0x8a: {  	s1 =	srdreg.scid  }
0x8b: {  	s0 =	sand.u32 $0x1, s1  }
0x8c: {  	s17 =	sshll.u32 s0, $0xA;
	s2 =	sadd.s32 s3, s2  }
0x8d: {  	s2 =	sadd.s32 s2, s17  }
0x8e: {  	[smem:$0x3FB9] =	sst s2  }
0x8f: {  	_ = 	snop  }
0x90: {  	s2 =	sld [smem:$0x3FC9]  }
0x91: {  	s18 =	sld [smem:$0x3FD0];
	(tm) =	ssettm $0x1  }
0x92: {  	s4 =	sld [smem:$0x3FFB];
	_ =	sdelay $0x3  }
0x93: {  	_ =	strace s4  }
0x94: {  	s4 =	sld [smem:$0x3FFC];
	_ =	sdelay $0x3  }
0x95: {  	_ =	strace s4  }
0x96: {  	s4 =	sld [smem:$0x3FFD];
	_ =	sdelay $0x3  }
0x97: {  	_ =	strace s4  }
0x98: {  	_ =	strace $0x8FFFFFFF  }
0x99: {  	s19 =	sld [smem:$0x3FDB];
	_ =	sdelay $0x1  }
0x9a: {  	s5 =	simm.s32 $_scs_section_size  }
0x9b: {  	s6 =	simm.s32 $_size__tile_overlayer_lowered;
	s7 =	simm.s32 $_tile_overlayer_lowered  }
0x9c: {  	s22 =	simm.s32 $0x1BFF;
	s21 =	sshll.u32 s7, $0x1;
	s4 =	sadd.s32 s5, s19  }
0x9d: {  	s8 =	simm.s32 $0x0;
	s20 =	sshll.u32 s6, $0x1;
	s6 =	sadd.s32 s21, s4  }
0x9e: {  	[timem:s8], [sflag:s22] =	dma.local [hbm:s6], s20  }
0x9f: {  	_ =	swait.ge [sflag:s22], s20  }
0xa0: {  	s5 =	ssub.s32 $0x0, s20;
	[sflag:s22] =	ssyncset.done $0x0  }
0xa1: {  	[sflag:s22] =	ssyncadd.s32 s5;
	_ =	sdelay $0x1  }
0xa2: {  	s23 =	simm.s32 $0x1B8B  }
0xa3: {  	_ =	swait.ge [sflag:s23], $0x1  }
0xa4: {  	[sflag:s23] =	ssyncset.done $0x0  }
0xa5: {  	s25 =	simm.s32 $0x1B8E;
	s24 =	sld [smem:$0x3FFE];
	[sflag:s23] =	ssyncadd.s32 $0xFFFFFFFF  }
0xa6: {  	s26 =	simm.s32 $execute0_lowered;
	[smem:$0x3FD2] =	sst s25  }
0xa7: {  	s6 =	sshll.u32 s26, $0x1;
	_ =	strace $0x80000046;
	[dreg:$0x1] =	wrdreg $0xFFFFFFFF  }
0xa8: {  	s28 =	simm.s32 $_size_execute0_lowered;
	s4 =	sadd.s32 s4, s6;
	[dreg:$0x0] =	wrdreg $0x0  }
0xa9: {  	s6 =	sshll.u32 s28, $0x1;
	[dreg:$0x2] =	wrdreg s4  }
0xaa: {  	[dreg:$0x3] =	wrdreg s6  }
0xab: {  	[dreg:$0x4] =	wrdreg $0xC0  }
0xac: {  	_ =	task [dreg:s8], $0x5FFFF  }
0xad: {  	[dreg:$0x1] =	wrdreg $0xFFFFFFFF  }
0xae: {  	[dreg:$0x0] =	wrdreg $0x60  }
0xaf: {  	[dreg:$0x2] =	wrdreg s2  }
0xb0: {  	[dreg:$0x3] =	wrdreg s18  }
0xb1: {  	[dreg:$0x4] =	wrdreg s24  }
0xb2: {  	[dreg:$0x5] =	wrdreg $0x0  }
0xb3: {  	[dreg:$0x6] =	wrdreg $0x9  }
0xb4: {  	_ =	task.clear_ibuf [dreg:s8], $0x7FFFF;
	_ =	strace $0x90000046  }
0xb5: {  	s29 =	simm.s32 $0x9;
	_ =	strace $0x80000048  }
0xb6: {  	_ =	swait.ge [sflag:s29], $0x1  }
0xb7: {  	[sflag:s29] =	ssyncadd.s32 $0xFFFFFFFF  }
0xb8: {  	_ =	strace $0x90000048  }
0xb9: {  	_ =	sfence  }
0xba: {  	s30 =	sld [smem:$0x0];
	_ =	sdelay $0x2  }
0xbb: {  	s31 =	sshll.u32 s1, $0xD;
	s1 =	sshrl.u32 s1, $0x2  }
0xbc: {  	s3 =	sand.u32 $0x4000, s31;
	s1 =	sadd.s32 s1, s30  }
0xbd: {  	s0 =	sor.u32 s3, s0;
	s1 =	sshll.u32 s1, $0x11  }
0xbe: {  	s0 =	sor.u32 s1, s0  }
0xbf: {  	s0 =	sadd.s32 $0x8F2B, s0  }
0xc0: {  	[sflag:s0] =	ssyncadd.remote.s32 $0x1  }
0xc1: {  	_ =	sfence.sel $0xFFFF  }
0xc2: {  	[dreg:$0x0] =	wrdreg $0xFFFFFFFF;
	(pc) =	sbr.abs _section_cstart, $3  }
0xc3: {  	[dreg:$0x1] =	wrdreg $0xFFFFFFFF  }
0xc4: {  	_ =	task.clear_ibuf [dreg:s8], $0x2FFFF;
	_ =	strace $0x9FFFFFFF  }
0xc5: {  	(tm) =	ssettm $0x7FFFFFFF  }
tec
execute0_lowered:
.L_overlay_start_1:
0x0: {  	(tag) =	ssettag $0x1  }
0x1: {  	s1 =	rddreg [dreg:$0x0]  }
0x2: {  	s2 =	rddreg [dreg:$0x1]  }
0x3: {  	s0 =	rddreg [dreg:$0x2]  }
0x4: {  	s3 =	rddreg [dreg:$0x3]  }
0x5: {  	s4 =	srdreg.scid;
	s5 =	simm.s32 $0x0;
	s12 =	stileid.u32  }
0x6: {  	s28 =	simm.s32 $0x2;
	s29 =	simm.s32 $0x3;
	s30 =	simm.s32 $0x80  }
0x7: {  	s31 =	simm.s32 $0x13A80;
	s4 =	sand.u32 $0x1, s4;
	s7 =	smul.u32 $0x4E20, s12  }
0x8: {  	[smem:$0x7FF] =	sst s5;
	s0 =	sadd.s32 $0x2000, s0;
	s25 =	smul.u32 $0x4E000, s12  }
0x9: {  	s11 =	smul.u32 $0x13800, s12;
	s14 =	sshll.u32 s12, $0x6;
	s15 =	sadd.s32 $0x138000, s3  }
0xa: {  	s16 =	sadd.s32 $0x27000, s1;
	p0 =	sne.s32 s12, $0xF;
	s12 =	simm.s32 $0x6  }
0xb: {  	s6 =	smul.u32 $0x9C400, s4;
	_ =	strace $0x80000047;
	[dreg:$0x9] =	wrdreg s15  }
0xc: {  	s8 =	ssub.s32 $0x2, s4;
	s4 =	smul.u32 $0x138800, s4;
	[dreg:$0xa] =	wrdreg s16  }
0xd: {  	s9 =	sshrl.u32 s8, $0x1;
	s13 =	sshrl.u32 s11, $0x3;
	s6 =	sadd.s32 s7, s6  }
0xe: {  	s8 =	ssub.s32 s8, s9;
	s7 =	sshrl.u32 s25, $0x2;
	s19 =	sadd.s32 s11, s4  }
0xf: {  	s4 =	sshrl.u32 s4, $0x3;
	s11 =	simm.s32 $0x17A80;
	s10 =	sshrl.u32 s6, $0x3  }
0x10: {  	s7 =	sadd.s32 s7, s3;
	s21 =	smax.u32 s8, $0x1;
	s22 =	sadd.s32 $0x180, s6  }
0x11: {  	s23 =	sadd.s32 $0x4E380, s6;
	s24 =	sadd.s32 $0x4E300, s6;
	[dreg:$0x7] =	wrdreg s7  }
0x12: {  	s8 =	simm.s32 $0x4;
	s7 =	sadd.s32 s1, s13;
	[dreg:$0x11] =	wrdreg s21  }
0x13: {  	s26 =	sadd.s32 s2, s10;
	s25 =	sshrl.u32 s23, $0x3;
	[dreg:$0x8] =	wrdreg s7  }
0x14: {  	s13 =	simm.s32 $0x7;
	s10 =	sadd.s32 $0x9C40, s26;
	[dreg:$0x5] =	wrdreg s26  }
0x15: {  	s17 =	sadd.s32 $0x10, s26;
	s18 =	sadd.s32 $0x9C50, s26;
	[dreg:$0x6] =	wrdreg s10  }
0x16: {  	s20 =	sadd.s32 $0x9C0, s26;
	s7 =	sshrl.u32 s19, $0x3;
	[dreg:$0xb] =	wrdreg s17  }
0x17: {  	s9 =	sadd.s32 $0xA600, s26;
	s26 =	sshrl.u32 s24, $0x3;
	[dreg:$0xc] =	wrdreg s18  }
0x18: {  	s21 =	sadd.s32 s25, s2;
	s24 =	simm.s32 $0x13880;
	[dreg:$0xd] =	wrdreg s20  }
0x19: {  	s25 =	simm.s32 $0x13900;
	s10 =	sor.u32 $0x1C08, s14;
	[dreg:$0xe] =	wrdreg s9  }
0x1a: {  	s7 =	sadd.s32 s0, s7;
	s0 =	sadd.s32 s0, s4;
	s23 =	sadd.s32 s26, s2  }
0x1b: {  	s26 =	simm.s32 $0x8;
	s4 =	simm.s32 $0x13980;
	s9 =	simm.s32 $0x5  }
0x1c: {  	s18 =	simm.s32 $0x0;
	[dreg:$0xf] =	wrdreg s7;
	s0 =	sadd.s32 $0x27000, s0  }
0x1d: {  	s7 =	simm.s32 $0x13A00;
	[dreg:$0x10] =	wrdreg s0;
	s0 =	sshrl.u32 s22, $0x3  }
0x1e: {  	s22 =	sadd.s32 $0x100, s6;
	s20 =	sadd.s32 s0, s2;
	s0 =	simm.s32 $0x1  }
.LBB2_1:
0x1f: {  	s6 =	rddreg [dreg:$0x5]  }
0x20: {  	s19 =	rddreg [dreg:$0x6]  }
0x21: {  	[tilespmem:s24], [sflag:$0x2] =	stream.linear.gather [hbm4b:s6+s5], $0x80, $0x38;
	[tilespmem:$0x1CB80] =	vst v63  }
0x22: {  	s14 =	rddreg [dreg:$0x7]  }
0x23: {  	[tilespmem:s25], [sflag:$0x3] =	stream.linear.gather [hbm4b:s19+s5], $0x80, $0x38;
	[tilespmem:$0x1CB80] =	vst v63  }
0x24: {  	s15 =	rddreg [dreg:$0x8];
	s19 =	sshrl.u32 s14, $0x3  }
0x25: {  	[spmem:s19], [sflag:s10] =	dma.local [hbm:s15], $0x2700  }
0x26: {  	_ =	swait.ge [sflag:s26], $0x2700  }
0x27: {  	[sflag:s26] =	ssyncset.done $0x0;
	s6 =	rddreg [dreg:$0x9]  }
0x28: {  	s14 =	rddreg [dreg:$0xa];
	[sflag:s26] =	ssyncadd.s32 $0xFFFFD900;
	s6 =	sshrl.u32 @!p0 s6, $0x3  }
0x29: {  	[spmem:s6], [sflag:s10] =	dma.local @!p0 [hbm:s14], $0x100  }
0x2a: {  	s14 =	simm.s32 @!p0 $0x8  }
0x2b: {  	_ =	swait.ge @!p0 [sflag:s14], $0x100  }
0x2c: {  	[sflag:s14] =	ssyncset.done @!p0 $0x0  }
0x2d: {  	[sflag:s14] =	ssyncadd.s32 @!p0 $0xFFFFFF00  }
0x2e: {  	[bflag:$0x0] =	sbarrier.arrive $0xFFFF  }
0x2f: {  	_ =	swait.ge [sflag:s28], $0x80  }
0x30: {  	[sflag:s28] =	ssyncset.done $0x0  }
0x31: {  	[sflag:s28] =	ssyncadd.s32 $0xFFFFFF80  }
0x32: {  	_ =	swait.ge [sflag:s29], $0x80  }
0x33: {  	[sflag:s29] =	ssyncset.done $0x0  }
0x34: {  	[sflag:s29] =	ssyncadd.s32 $0xFFFFFF80  }
0x35: {  	[tilespmem:s31], [sflag:$0x1] =	stream.indirect.gather [hbm4b:s1+s30], $0x80, s24, s30, $0xb8;
	[tilespmem:$0x1CB80] =	vst v63  }
0x36: {  	_ =	swait.ge [sflag:s0], $0x4000  }
0x37: {  	[sflag:s0] =	ssyncset.done $0x0  }
0x38: {  	[sflag:s0] =	ssyncadd.s32 $0xFFFFC000  }
0x39: {  	[spmem:s3] =	stream.indirect.scatter.add.f32 [tilespmem:s31], [sflag:$0x6], $0x80, s25, s30, $0xb8;
	[tilespmem:$0x1CB80] =	vst v63  }
0x3a: {  	s16 =	rddreg [dreg:$0xb]  }
0x3b: {  	[tilespmem:s4], [sflag:$0x4] =	stream.linear.gather [hbm4b:s16+s5], $0x80, $0x38;
	[tilespmem:$0x1CB80] =	vst v63  }
0x3c: {  	s17 =	rddreg [dreg:$0xc]  }
0x3d: {  	[tilespmem:s7], [sflag:$0x5] =	stream.linear.gather [hbm4b:s17+s5], $0x80, $0x38;
	[tilespmem:$0x1CB80] =	vst v63  }
0x3e: {  	_ =	swait.ge [sflag:s8], $0x80  }
0x3f: {  	[sflag:s8] =	ssyncset.done $0x0  }
0x40: {  	[sflag:s8] =	ssyncadd.s32 $0xFFFFFF80  }
0x41: {  	_ =	swait.ge [sflag:s9], $0x80  }
0x42: {  	[sflag:s9] =	ssyncset.done $0x0  }
0x43: {  	[sflag:s9] =	ssyncadd.s32 $0xFFFFFF80  }
0x44: {  	[tilespmem:s11], [sflag:$0x1] =	stream.indirect.gather [hbm4b:s1+s30], $0x80, s4, s30, $0xb8;
	[tilespmem:$0x1CB80] =	vst v63  }
0x45: {  	_ =	swait.ge [sflag:s0], $0x4000  }
0x46: {  	[sflag:s0] =	ssyncset.done $0x0  }
0x47: {  	[sflag:s0] =	ssyncadd.s32 $0xFFFFC000  }
0x48: {  	_ =	swait.ge [sflag:s12], $0x4000  }
0x49: {  	[sflag:s12] =	ssyncset.done $0x0  }
0x4a: {  	s15 =	sshrl.u32 s22, $0x3;
	[sflag:s12] =	ssyncadd.s32 $0xFFFFC000  }
0x4b: {  	[spmem:s3] =	stream.indirect.scatter.add.f32 [tilespmem:s11], [sflag:$0x7], $0x80, s7, s30, $0xb8;
	[tilespmem:$0x1CB80] =	vst v63  }
0x4c: {  	s14 =	sadd.s32 s2, s15  }
0x4d: {  	[tilespmem:s24], [sflag:$0x2] =	stream.linear.gather [hbm4b:s14+s5], $0x80, $0x38;
	[tilespmem:$0x1CB80] =	vst v63  }
0x4e: {  	s16 =	sadd.s32 $0x0, s23  }
0x4f: {  	[tilespmem:s25], [sflag:$0x3] =	stream.linear.gather [hbm4b:s16+s5], $0x80, $0x38;
	[tilespmem:$0x1CB80] =	vst v63  }
0x50: {  	_ =	swait.ge [sflag:s28], $0x80  }
0x51: {  	[sflag:s28] =	ssyncset.done $0x0  }
0x52: {  	[sflag:s28] =	ssyncadd.s32 $0xFFFFFF80  }
0x53: {  	_ =	swait.ge [sflag:s29], $0x80  }
0x54: {  	[sflag:s29] =	ssyncset.done $0x0  }
0x55: {  	[sflag:s29] =	ssyncadd.s32 $0xFFFFFF80  }
0x56: {  	[tilespmem:s31], [sflag:$0x1] =	stream.indirect.gather [hbm4b:s1+s30], $0x80, s24, s30, $0xb8;
	[tilespmem:$0x1CB80] =	vst v63  }
0x57: {  	_ =	swait.ge [sflag:s0], $0x4000  }
0x58: {  	[sflag:s0] =	ssyncset.done $0x0  }
0x59: {  	[sflag:s0] =	ssyncadd.s32 $0xFFFFC000  }
0x5a: {  	_ =	swait.ge [sflag:s13], $0x4000  }
0x5b: {  	[sflag:s13] =	ssyncset.done $0x0  }
0x5c: {  	s15 =	sadd.s32 $0x100, s22;
	[sflag:s13] =	ssyncadd.s32 $0xFFFFC000  }
0x5d: {  	[spmem:s3] =	stream.indirect.scatter.add.f32 [tilespmem:s31], [sflag:$0x6], $0x80, s25, s30, $0xb8;
	[tilespmem:$0x1CB80] =	vst v63  }
0x5e: {  	s17 =	sadd.s32 $0x0, s20;
	s14 =	simm.s32 $0x20;
	s16 =	sadd.s32 $0x0, s21  }
0x5f: {  	[tilespmem:s4], [sflag:$0x4] =	stream.linear.gather [hbm4b:s17+s5], $0x80, $0x38;
	[tilespmem:$0x1CB80] =	vst v63  }
.LBB2_2:
0x60: {  	[tilespmem:s7], [sflag:$0x5] =	stream.linear.gather [hbm4b:s16+s5], $0x80, $0x38;
	[tilespmem:$0x1CB80] =	vst v63  }
0x61: {  	s16 =	smov.u32 s14  }
0x62: {  	p1 =	sne.s32 s14, $0x980;
	s14 =	sadd.s32 $0x20, s14;
	_ =	swait.ge [sflag:s8], $0x80  }
0x63: {  	[sflag:s8] =	ssyncset.done $0x0  }
0x64: {  	[sflag:s8] =	ssyncadd.s32 $0xFFFFFF80  }
0x65: {  	_ =	swait.ge [sflag:s9], $0x80  }
0x66: {  	[sflag:s9] =	ssyncset.done $0x0  }
0x67: {  	[sflag:s9] =	ssyncadd.s32 $0xFFFFFF80  }
0x68: {  	[tilespmem:s11], [sflag:$0x1] =	stream.indirect.gather [hbm4b:s1+s30], $0x80, s4, s30, $0xb8;
	[tilespmem:$0x1CB80] =	vst v63  }
0x69: {  	_ =	swait.ge [sflag:s0], $0x4000  }
0x6a: {  	[sflag:s0] =	ssyncset.done $0x0  }
0x6b: {  	[sflag:s0] =	ssyncadd.s32 $0xFFFFC000  }
0x6c: {  	_ =	swait.ge [sflag:s12], $0x4000  }
0x6d: {  	[sflag:s12] =	ssyncset.done $0x0  }
0x6e: {  	s17 =	sshrl.u32 s15, $0x3;
	[sflag:s12] =	ssyncadd.s32 $0xFFFFC000  }
0x6f: {  	[spmem:s3] =	stream.indirect.scatter.add.f32 [tilespmem:s11], [sflag:$0x7], $0x80, s7, s30, $0xb8;
	[tilespmem:$0x1CB80] =	vst v63  }
0x70: {  	s17 =	sadd.s32 s2, s17  }
0x71: {  	[tilespmem:s24], [sflag:$0x2] =	stream.linear.gather [hbm4b:s17+s5], $0x80, $0x38;
	[tilespmem:$0x1CB80] =	vst v63  }
0x72: {  	s17 =	sadd.s32 s16, s23  }
0x73: {  	[tilespmem:s25], [sflag:$0x3] =	stream.linear.gather [hbm4b:s17+s5], $0x80, $0x38;
	[tilespmem:$0x1CB80] =	vst v63  }
0x74: {  	_ =	swait.ge [sflag:s28], $0x80  }
0x75: {  	[sflag:s28] =	ssyncset.done $0x0  }
0x76: {  	[sflag:s28] =	ssyncadd.s32 $0xFFFFFF80  }
0x77: {  	_ =	swait.ge [sflag:s29], $0x80  }
0x78: {  	[sflag:s29] =	ssyncset.done $0x0  }
0x79: {  	[sflag:s29] =	ssyncadd.s32 $0xFFFFFF80  }
0x7a: {  	[tilespmem:s31], [sflag:$0x1] =	stream.indirect.gather [hbm4b:s1+s30], $0x80, s24, s30, $0xb8;
	[tilespmem:$0x1CB80] =	vst v63  }
0x7b: {  	_ =	swait.ge [sflag:s0], $0x4000  }
0x7c: {  	[sflag:s0] =	ssyncset.done $0x0  }
0x7d: {  	[sflag:s0] =	ssyncadd.s32 $0xFFFFC000  }
0x7e: {  	_ =	swait.ge [sflag:s13], $0x4000  }
0x7f: {  	[sflag:s13] =	ssyncset.done $0x0  }
.Ltmp0:
0x80: {  	[sflag:s13] =	ssyncadd.s32 $0xFFFFC000;
	(pc) =	sbr.rel @p1 .LBB2_2-.Ltmp0, $4  }
0x81: {  	[spmem:s3] =	stream.indirect.scatter.add.f32 [tilespmem:s31], [sflag:$0x6], $0x80, s25, s30, $0xb8;
	[tilespmem:$0x1CB80] =	vst v63  }
0x82: {  	s17 =	sadd.s32 s16, s20  }
0x83: {  	[tilespmem:s4], [sflag:$0x4] =	stream.linear.gather [hbm4b:s17+s5], $0x80, $0x38;
	[tilespmem:$0x1CB80] =	vst v63  }
0x84: {  	s15 =	sadd.s32 $0x100, s15;
	s16 =	sadd.s32 s16, s21  }
0x85: {  	[tilespmem:s7], [sflag:$0x5] =	stream.linear.gather [hbm4b:s16+s5], $0x80, $0x38;
	[tilespmem:$0x1CB80] =	vst v63  }
0x86: {  	_ =	swait.ge [sflag:s8], $0x80  }
0x87: {  	[sflag:s8] =	ssyncset.done $0x0  }
0x88: {  	[sflag:s8] =	ssyncadd.s32 $0xFFFFFF80  }
0x89: {  	_ =	swait.ge [sflag:s9], $0x80  }
0x8a: {  	[sflag:s9] =	ssyncset.done $0x0  }
0x8b: {  	[sflag:s9] =	ssyncadd.s32 $0xFFFFFF80  }
0x8c: {  	[tilespmem:s11], [sflag:$0x1] =	stream.indirect.gather [hbm4b:s1+s30], $0x80, s4, s30, $0xb8;
	[tilespmem:$0x1CB80] =	vst v63  }
0x8d: {  	_ =	swait.ge [sflag:s0], $0x4000  }
0x8e: {  	[sflag:s0] =	ssyncset.done $0x0  }
0x8f: {  	[sflag:s0] =	ssyncadd.s32 $0xFFFFC000  }
0x90: {  	_ =	swait.ge [sflag:s12], $0x4000  }
0x91: {  	[sflag:s12] =	ssyncset.done $0x0  }
0x92: {  	[sflag:s12] =	ssyncadd.s32 $0xFFFFC000  }
0x93: {  	[spmem:s3] =	stream.indirect.scatter.add.f32 [tilespmem:s11], [sflag:$0x7], $0x80, s7, s30, $0xb8;
	[tilespmem:$0x1CB80] =	vst v63  }
0x94: {  	_ =	swait.ge [sflag:s13], $0x4000  }
0x95: {  	[sflag:s13] =	ssyncset.done $0x0  }
0x96: {  	s15 =	simm.s32 $0x1BA80;
	s14 =	rddreg [dreg:$0xd];
	[sflag:s13] =	ssyncadd.s32 $0xFFFFC000  }
0x97: {  	[tilespmem:s15], [sflag:$0x8] =	stream.linear.gather [hbm4b:s14+s5], $0x20, $0x38;
	[tilespmem:$0x1CB80] =	vst v63  }
0x98: {  	_ =	swait.ge [sflag:s26], $0x20  }
0x99: {  	[sflag:s26] =	ssyncset.done $0x0  }
0x9a: {  	s16 =	simm.s32 $0x1BB00;
	s17 =	rddreg [dreg:$0xe];
	[sflag:s26] =	ssyncadd.s32 $0xFFFFFFE0  }
0x9b: {  	[tilespmem:s16], [sflag:$0x8] =	stream.linear.gather [hbm4b:s17+s5], $0x20, $0x38;
	[tilespmem:$0x1CB80] =	vst v63  }
0x9c: {  	_ =	swait.ge [sflag:s26], $0x20  }
0x9d: {  	[sflag:s26] =	ssyncset.done $0x0  }
0x9e: {  	s14 =	simm.s32 $0x20;
	s17 =	simm.s32 $0x1BB80;
	[sflag:s26] =	ssyncadd.s32 $0xFFFFFFE0  }
0x9f: {  	[tilespmem:s17], [sflag:$0x1] =	stream.indirect.gather [hbm4b:s1+s14], $0x80, s15, s14, $0xb8;
	[tilespmem:$0x1CB80] =	vst v63  }
0xa0: {  	_ =	swait.ge [sflag:s0], $0x1000  }
0xa1: {  	[sflag:s0] =	ssyncset.done $0x0  }
0xa2: {  	[sflag:s0] =	ssyncadd.s32 $0xFFFFF000  }
0xa3: {  	[spmem:s3] =	stream.indirect.scatter.add.f32 [tilespmem:s17], [sflag:$0x8], $0x80, s16, s14, $0xb8;
	[tilespmem:$0x1CB80] =	vst v63  }
0xa4: {  	_ =	swait.ge [sflag:s26], $0x1000  }
0xa5: {  	[sflag:s26] =	ssyncset.done $0x0  }
0xa6: {  	[sflag:s26] =	ssyncadd.s32 $0xFFFFF000  }
0xa7: {  	[bflag:$0x0] =	sbarrier.arrive $0xFFFF  }
0xa8: {  	s17 =	rddreg [dreg:$0xf]  }
0xa9: {  	[hbm:s17], [sflag:s10] =	dma.local [spmem:s19], $0x2700  }
0xaa: {  	_ =	swait.ge [sflag:s26], $0x2700  }
0xab: {  	[sflag:s26] =	ssyncset.done $0x0  }
0xac: {  	s14 =	rddreg [dreg:$0x10];
	[sflag:s26] =	ssyncadd.s32 $0xFFFFD900  }
0xad: {  	[hbm:s14], [sflag:s10] =	dma.local @!p0 [spmem:s6], $0x100  }
0xae: {  	s6 =	simm.s32 @!p0 $0x8  }
0xaf: {  	_ =	swait.ge @!p0 [sflag:s6], $0x100  }
0xb0: {  	s18 =	sadd.s32 $0x1, s18;
	s19 =	rddreg [dreg:$0x11]  }
0xb1: {  	p1 =	sne.s32 s18, s19  }
.Ltmp1:
0xb2: {  	_ = 	snop;
	(pc) =	sbr.rel @p1 .LBB2_1-.Ltmp1, $3  }
0xb3: {  	_ =	sdelay $0x1  }
0xb4: {  	[sflag:s6] =	ssyncset.done @!p0 $0x0  }
0xb5: {  	[sflag:s6] =	ssyncadd.s32 @!p0 $0xFFFFFF00  }
0xb6: {  	_ =	sfence.sel $0x180000  }
0xb7: {  	[bflag:$0x0] =	sbarrier.arrive $0xFFFF  }
0xb8: {  	_ =	strace $0x90000047  }
0xb9: {  	s0 =	stileid.u32;
	[bflag:$0x2] =	sbarrier.arrive $0xFFFF  }
0xba: {  	p0 =	sne.s32 s0, $0x0;
	s0 =	rddreg [dreg:$0x4]  }
0xbb: {  	s0 =	sadd.s32 @!p0 $0x100000, s0  }
0xbc: {  	[sflag:s0] =	ssyncadd.tile.s32 @!p0 $0x1;
	_ =	shalt  }
.Lfunc_end2:
_tile_overlayer_lowered:
.L_overlay_start_2:
0xbd: {  	(tag) =	ssettag $0x2  }
0xbe: {  	s0 =	rddreg [dreg:$0x0];
	s2 =	stileid.u32  }
0xbf: {  	s1 =	rddreg [dreg:$0x1];
	p0 =	sne.s32 s2, $0x0  }
0xc0: {  	s3 =	rddreg [dreg:$0x2];
	[bflag:$0x3] =	sbarrier.arrive $0xFFFF;
	s2 =	simm.s32 @!p0 $0x1C08  }
0xc1: {  	[timem:s3], [sflag:s2] =	dma.local @!p0 [hbm:s0], s1  }
0xc2: {  	s0 =	simm.s32 @!p0 $0x8  }
0xc3: {  	_ =	swait.ge @!p0 [sflag:s0], s1  }
0xc4: {  	s1 =	ssub.s32 @!p0 $0x0, s1;
	[sflag:s0] =	ssyncset.done @!p0 $0x0  }
0xc5: {  	[sflag:s0] =	ssyncadd.s32 @!p0 s1  }
0xc6: {  	[bflag:$0x3] =	sbarrier.arrive $0xFFFF  }
0xc7: {  	_ =	shalt  }

</sc_bundles>
